<compile_context>
chip_gen: v7x
topology: tpu7x:2x2x1
jax: 0.10.2.dev20260603
libtpu: 0.0.44.dev20260713+nightly
codegen_flags: <defaults>
</compile_context>

<pallas_src>
import functools

import jax
import jax.numpy as jnp
from jax import lax
from jax.experimental import pallas as pl
from jax.experimental.pallas import tpu as pltpu
from jax.experimental.pallas import tpu_sc as plsc

_N = 10000
_C = 128
_NC = 2
_NS = 16
_NW = _NC * _NS
_RN = 640
_NP = _RN * _NS
_K = 64
_EW = 10240
_EP = _EW * _NW
_STEPS = _EW // _K
_BSTEP = 40
_NBLK = _STEPS // _BSTEP
_NBUF = 4

_mesh = plsc.VectorSubcoreMesh(core_axis_name="c", subcore_axis_name="s")


def _sc_histogram(dst3, ones_rows, zeros_rows):

    @functools.partial(
        pl.kernel,
        out_type=jax.ShapeDtypeStruct((_NC, _NP, _C), jnp.float32),
        mesh=_mesh,
        scratch_types=[
            pltpu.VMEM((_BSTEP, _K), jnp.int32),
            pltpu.VMEM((_K, _C), jnp.float32),
            pltpu.VMEM_SHARED((_NP, _C), jnp.float32),
        ],
    )
    def hist(dst_hbm, ones_hbm, zeros_hbm, out_hbm, didx, ones_v, acc):
        c = lax.axis_index("c")
        s = lax.axis_index("s")
        wid = s * _NC + c
        pltpu.sync_copy(ones_hbm, ones_v)
        pltpu.sync_copy(zeros_hbm, acc.at[pl.ds(s * _RN, _RN)])
        plsc.subcore_barrier()

        @pl.loop(0, _NBLK)
        def _(blk):
            pltpu.sync_copy(
                dst_hbm.at[wid].at[pl.ds(blk * _BSTEP, _BSTEP)], didx)

            @pl.loop(0, _BSTEP)
            def _(k):
                pltpu.sync_copy(ones_v, acc.at[didx.at[k]], add=True)

        plsc.subcore_barrier()
        pltpu.sync_copy(acc.at[pl.ds(s * _RN, _RN)],
                        out_hbm.at[c].at[pl.ds(s * _RN, _RN)])

    return hist(dst3, ones_rows, zeros_rows)


def _sc_aggregate(xs, src3, dst3, zeros_rows):

    @functools.partial(
        pl.kernel,
        out_type=jax.ShapeDtypeStruct((_NC, _NP, _C), jnp.float32),
        mesh=_mesh,
        scratch_types=[
            pltpu.VMEM((_BSTEP, _K), jnp.int32),
            pltpu.VMEM((_BSTEP, _K), jnp.int32),
        ] + [pltpu.VMEM((_K, _C), jnp.float32) for _ in range(_NBUF)] + [
            pltpu.VMEM_SHARED((_NP, _C), jnp.float32),
        ] + [pltpu.SemaphoreType.DMA for _ in range(_NBUF)],
    )
    def agg(xs_hbm, src_hbm, dst_hbm, zeros_hbm, out_hbm,
            sidx, didx, *rest):
        rows = rest[:_NBUF]
        acc = rest[_NBUF]
        sems = rest[_NBUF + 1:]
        c = lax.axis_index("c")
        s = lax.axis_index("s")
        wid = s * _NC + c
        pltpu.sync_copy(zeros_hbm, acc.at[pl.ds(s * _RN, _RN)])
        plsc.subcore_barrier()

        @pl.loop(0, _NBLK)
        def _(blk):
            pltpu.sync_copy(
                src_hbm.at[wid].at[pl.ds(blk * _BSTEP, _BSTEP)], sidx)
            pltpu.sync_copy(
                dst_hbm.at[wid].at[pl.ds(blk * _BSTEP, _BSTEP)], didx)

            for b in range(_NBUF):
                pltpu.make_async_copy(
                    xs_hbm.at[sidx.at[b]], rows[b], sems[b]).start()

            @pl.loop(0, _BSTEP // _NBUF - 1)
            def _(j):
                k = j * _NBUF
                for b in range(_NBUF):
                    pltpu.make_async_copy(
                        xs_hbm.at[sidx.at[k + b]], rows[b], sems[b]).wait()
                    pltpu.sync_copy(rows[b], acc.at[didx.at[k + b]], add=True)
                    pltpu.make_async_copy(
                        xs_hbm.at[sidx.at[k + _NBUF + b]],
                        rows[b], sems[b]).start()

            kt = _BSTEP - _NBUF
            for b in range(_NBUF):
                pltpu.make_async_copy(
                    xs_hbm.at[sidx.at[kt + b]], rows[b], sems[b]).wait()
                pltpu.sync_copy(rows[b], acc.at[didx.at[kt + b]], add=True)

        plsc.subcore_barrier()
        pltpu.sync_copy(acc.at[pl.ds(s * _RN, _RN)],
                        out_hbm.at[c].at[pl.ds(s * _RN, _RN)])

    return agg(xs, src3, dst3, zeros_rows)


_BR = 1280


def _tc_prescale_body(d0_ref, d1_ref, x_ref, dinv_ref, xs_ref):
    deg = d0_ref[:, 0:1] + d1_ref[:, 0:1] + 1.0
    dinv = lax.rsqrt(deg)
    dinv_b = jnp.broadcast_to(dinv, (d0_ref.shape[0], _C))
    dinv_ref[...] = dinv_b
    xs_ref[...] = dinv_b * x_ref[...]


def _tc_prescale(d0, d1, x):
    return pl.pallas_call(
        _tc_prescale_body,
        grid=(_NP // _BR,),
        in_specs=[
            pl.BlockSpec((_BR, _C), lambda i: (i, 0)),
            pl.BlockSpec((_BR, _C), lambda i: (i, 0)),
            pl.BlockSpec((_BR, _C), lambda i: (i, 0)),
        ],
        out_specs=[
            pl.BlockSpec((_BR, _C), lambda i: (i, 0)),
            pl.BlockSpec((_BR, _C), lambda i: (i, 0)),
        ],
        out_shape=[
            jax.ShapeDtypeStruct((_NP, _C), jnp.float32),
            jax.ShapeDtypeStruct((_NP, _C), jnp.float32),
        ],
    )(d0, d1, x)


def _tc_layer1_body(p0_ref, p1_ref, x_ref, dinv_ref, w_ref, b_ref,
                    h_ref, hs_ref):
    dinv = dinv_ref[...]
    g = dinv * (p0_ref[...] + p1_ref[...]) + dinv * dinv * x_ref[...]
    h = jnp.dot(g, w_ref[...], preferred_element_type=jnp.float32)
    h = jnp.maximum(h + b_ref[...], 0.0)
    h_ref[...] = h
    hs_ref[...] = dinv * h


def _tc_layer1(p0, p1, x, dinv, W1, b1):
    return pl.pallas_call(
        _tc_layer1_body,
        grid=(_NP // _BR,),
        in_specs=[
            pl.BlockSpec((_BR, _C), lambda i: (i, 0)),
            pl.BlockSpec((_BR, _C), lambda i: (i, 0)),
            pl.BlockSpec((_BR, _C), lambda i: (i, 0)),
            pl.BlockSpec((_BR, _C), lambda i: (i, 0)),
            pl.BlockSpec((_C, _C), lambda i: (0, 0)),
            pl.BlockSpec((1, _C), lambda i: (0, 0)),
        ],
        out_specs=[
            pl.BlockSpec((_BR, _C), lambda i: (i, 0)),
            pl.BlockSpec((_BR, _C), lambda i: (i, 0)),
        ],
        out_shape=[
            jax.ShapeDtypeStruct((_NP, _C), jnp.float32),
            jax.ShapeDtypeStruct((_NP, _C), jnp.float32),
        ],
    )(p0, p1, x, dinv, W1, b1)


def _tc_layer2_body(q0_ref, q1_ref, h_ref, dinv_ref, wm_ref, bm_ref,
                    wl_ref, bl_ref, mu_ref, ls_ref):
    dinv = dinv_ref[...]
    g = dinv * (q0_ref[...] + q1_ref[...]) + dinv * dinv * h_ref[...]
    mu_ref[...] = jnp.dot(g, wm_ref[...],
                          preferred_element_type=jnp.float32) + bm_ref[...]
    ls_ref[...] = jnp.dot(g, wl_ref[...],
                          preferred_element_type=jnp.float32) + bl_ref[...]


_BR2 = 2000


def _tc_layer2(q0, q1, h, dinv, Wmu, bmu, Wls, bls):
    return pl.pallas_call(
        _tc_layer2_body,
        grid=(_N // _BR2,),
        in_specs=[
            pl.BlockSpec((_BR2, _C), lambda i: (i, 0)),
            pl.BlockSpec((_BR2, _C), lambda i: (i, 0)),
            pl.BlockSpec((_BR2, _C), lambda i: (i, 0)),
            pl.BlockSpec((_BR2, _C), lambda i: (i, 0)),
            pl.BlockSpec((_C, _C), lambda i: (0, 0)),
            pl.BlockSpec((1, _C), lambda i: (0, 0)),
            pl.BlockSpec((_C, _C), lambda i: (0, 0)),
            pl.BlockSpec((1, _C), lambda i: (0, 0)),
        ],
        out_specs=[
            pl.BlockSpec((_BR2, _C), lambda i: (i, 0)),
            pl.BlockSpec((_BR2, _C), lambda i: (i, 0)),
        ],
        out_shape=[
            jax.ShapeDtypeStruct((_N, _C), jnp.float32),
            jax.ShapeDtypeStruct((_N, _C), jnp.float32),
        ],
    )(q0, q1, h, dinv, Wmu, bmu, Wls, bls)


def kernel(x, edge_index, W1, b1, Wmu, bmu, Wls, bls):
    E = edge_index.shape[1]
    pad = _EP - E
    fill = _N + (jnp.arange(pad, dtype=jnp.int32) % (_NP - _N))
    src3 = jnp.concatenate([edge_index[0].astype(jnp.int32), fill])
    dst3 = jnp.concatenate([edge_index[1].astype(jnp.int32), fill])
    src3 = src3.reshape(_NW, _STEPS, _K)
    dst3 = dst3.reshape(_NW, _STEPS, _K)
    xp = jnp.pad(x, ((0, _NP - _N), (0, 0)))

    ones_rows = jnp.ones((_K, _C), jnp.float32)
    zeros_rows = jnp.zeros((_RN, _C), jnp.float32)
    b1r = b1.reshape(1, _C)
    bmur = bmu.reshape(1, _C)
    blsr = bls.reshape(1, _C)

    degp = _sc_histogram(dst3, ones_rows, zeros_rows)
    dinv, xs = _tc_prescale(degp[0], degp[1], xp)
    p = _sc_aggregate(xs, src3, dst3, zeros_rows)
    h, hs = _tc_layer1(p[0], p[1], xp, dinv, W1, b1r)
    q = _sc_aggregate(hs, src3, dst3, zeros_rows)
    mu, ls = _tc_layer2(q[0], q[1], h, dinv, Wmu, bmur, Wls, blsr)
    return (mu, ls)

# --- scband reference (transcript-rebuilt; emitter-appended) ---
"""Pipeline reference for scband-variational-gcnencoder-18751827214533 (READ-ONLY COPY).

The authoritative reference and input builder live on the scoring server;
editing this copy changes nothing except your own understanding.
"""

import jax, jax.numpy as jnp
import numpy as np


def gcn_conv(x, edge_index, W, b):
    # GCNConv: out = D^{-1/2} (A + I) D^{-1/2} (x W) + b
    N = x.shape[0]
    self_loops = jnp.arange(N, dtype=edge_index.dtype)
    src = jnp.concatenate([edge_index[0], self_loops])
    dst = jnp.concatenate([edge_index[1], self_loops])
    deg = jnp.zeros((N,), dtype=x.dtype).at[dst].add(1.0)
    dinv = jax.lax.rsqrt(deg)  # deg >= 1 due to self loops
    norm = dinv[src] * dinv[dst]
    h = x @ W
    msg = h[src] * norm[:, None]
    out = jnp.zeros((N, W.shape[1]), dtype=x.dtype).at[dst].add(msg)
    return out + b


def setup_inputs(seed: int = 0):
    key = jax.random.key(seed)
    ks = jax.random.split(key, 8)
    N, E, Cin, Cout = 10000, 320000, 128, 128
    x = jax.random.normal(ks[0], (N, Cin), dtype=jnp.float32)
    edge_index = jax.random.randint(ks[1], (2, E), 0, N, dtype=jnp.int32).astype(jnp.int64)
    W1 = jax.random.normal(ks[2], (Cin, Cout), dtype=jnp.float32) * 0.05
    b1 = jnp.zeros((Cout,), dtype=jnp.float32)
    Wmu = jax.random.normal(ks[3], (Cout, Cout), dtype=jnp.float32) * 0.05
    bmu = jnp.zeros((Cout,), dtype=jnp.float32)
    Wls = jax.random.normal(ks[4], (Cout, Cout), dtype=jnp.float32) * 0.05
    bls = jnp.zeros((Cout,), dtype=jnp.float32)
    return {"x": x, "edge_index": edge_index, "W1": W1, "b1": b1, "Wmu": Wmu, "bmu": bmu, "Wls": Wls, "bls": bls}


def reference(x, edge_index, W1, b1, Wmu, bmu, Wls, bls):
    h = jax.nn.relu(gcn_conv(x, edge_index, W1, b1))
    mu = gcn_conv(h, edge_index, Wmu, bmu)
    logstd = gcn_conv(h, edge_index, Wls, bls)
    return (mu, logstd)

if __name__ == "__main__":
    import jax
    _d = setup_inputs()
    print(jax.jit(kernel)(*tuple(_d.values())))

</pallas_src>

<mosaic_0001>
#map = affine_map<(d0, d1) -> (0, 0, 0)>
#map1 = affine_map<(d0, d1) -> (0, 0)>
module attributes {stable_mosaic.version = 14 : i64} {
  func.func @hist(%arg0: i32, %arg1: i32, %arg2: memref<32x160x64xi32, #tpu.memory_space<hbm>>, %arg3: memref<64x128xf32, #tpu.memory_space<hbm>>, %arg4: memref<640x128xf32, #tpu.memory_space<hbm>>, %arg5: memref<2x10240x128xf32, #tpu.memory_space<hbm>>, %arg6: memref<40x64xi32, #tpu.memory_space<vmem>>, %arg7: memref<64x128xf32, #tpu.memory_space<vmem>>, %arg8: memref<10240x128xf32, #tpu.memory_space<vmem_shared>>) attributes {dimension_semantics = [#tpu.dimension_semantics<core_parallel>, #tpu.dimension_semantics<subcore_parallel>], iteration_bounds = array<i64: 2, 16>, scalar_prefetch = 0 : i64, scratch_operands = 3 : i64, tpu.core_type = #tpu.core_type<sc_vector_subcore>, window_params = [{transform_indices = #map}, {transform_indices = #map1}, {transform_indices = #map1}, {transform_indices = #map}]} {
    %mul3A = arith.constant 2 : i32
    %mul3A_0 = arith.muli %arg1, %mul3A : i32
    %add3A = arith.addi %mul3A_0, %arg0 : i32
    "tpu.region"() ({
      %run_scoped3A = tpu.sem_alloc : memref<!tpu.dma_semaphore, #tpu.memory_space<semaphore_mem>>
      tpu.enqueue_dma source(%arg3 : memref<64x128xf32, #tpu.memory_space<hbm>>) target(%arg7 : memref<64x128xf32, #tpu.memory_space<vmem>>) target_semaphore(%run_scoped3A : memref<!tpu.dma_semaphore, #tpu.memory_space<semaphore_mem>>)
      tpu.wait_dma2 semaphore(%run_scoped3A : memref<!tpu.dma_semaphore, #tpu.memory_space<semaphore_mem>>) src(%arg3 : memref<64x128xf32, #tpu.memory_space<hbm>>) dst(%arg7 : memref<64x128xf32, #tpu.memory_space<vmem>>)
      tpu.yield
    }) : () -> ()
    %mul3A_1 = arith.constant 640 : i32
    %mul3A_2 = arith.muli %arg1, %mul3A_1 : i32
    "tpu.region"() ({
      %run_scoped3A = tpu.sem_alloc : memref<!tpu.dma_semaphore, #tpu.memory_space<semaphore_mem>>
      %dma_start3A = arith.constant 0 : i32
      %dma_start3A_12 = tpu.memref_slice %arg8[%mul3A_2, %dma_start3A] : memref<10240x128xf32, #tpu.memory_space<vmem_shared>> -> memref<640x128xf32, #tpu.memory_space<vmem_shared>>
      tpu.enqueue_dma source(%arg4 : memref<640x128xf32, #tpu.memory_space<hbm>>) target(%dma_start3A_12 : memref<640x128xf32, #tpu.memory_space<vmem_shared>>) target_semaphore(%run_scoped3A : memref<!tpu.dma_semaphore, #tpu.memory_space<semaphore_mem>>)
      %dma_wait3A = arith.constant 0 : i32
      %dma_wait3A_13 = tpu.memref_slice %arg8[%mul3A_2, %dma_wait3A] : memref<10240x128xf32, #tpu.memory_space<vmem_shared>> -> memref<640x128xf32, #tpu.memory_space<vmem_shared>>
      tpu.wait_dma2 semaphore(%run_scoped3A : memref<!tpu.dma_semaphore, #tpu.memory_space<semaphore_mem>>) src(%arg4 : memref<640x128xf32, #tpu.memory_space<hbm>>) dst(%dma_wait3A_13 : memref<640x128xf32, #tpu.memory_space<vmem_shared>>)
      tpu.yield
    }) : () -> ()
    %barrier3A = arith.constant 0 : index
    tpu.barrier barrier_id(%barrier3A)
    %scan3A = arith.constant 0 : i32
    %scan3A_3 = arith.constant 4 : i32
    %scan3A_4 = arith.addi %scan3A, %scan3A_3 : i32
    %scan3A_5 = arith.constant 1 : i32
    scf.for %scan3A_12 = %scan3A to %scan3A_4 step %scan3A_5  : i32 {
      %mul3A_13 = arith.constant 1 : i32
      %mul3A_14 = arith.muli %scan3A_12, %mul3A_13 : i32
      %add3A_15 = arith.constant 0 : i32
      %add3A_16 = arith.addi %add3A_15, %mul3A_14 : i32
      %mul3A_17 = arith.constant 40 : i32
      %mul3A_18 = arith.muli %add3A_16, %mul3A_17 : i32
      "tpu.region"() ({
        %run_scoped3A = tpu.sem_alloc : memref<!tpu.dma_semaphore, #tpu.memory_space<semaphore_mem>>
        %dma_start3A = arith.constant 0 : i32
        %dma_start3A_24 = arith.constant 0 : i32
        %dma_start3A_25 = tpu.memref_slice %arg2[%add3A, %dma_start3A, %dma_start3A_24] : memref<32x160x64xi32, #tpu.memory_space<hbm>> -> memref<1x160x64xi32, #tpu.memory_space<hbm>>
        %dma_start3A_26 = tpu.memref_squeeze %dma_start3A_25 : memref<1x160x64xi32, #tpu.memory_space<hbm>> -> memref<160x64xi32, #tpu.memory_space<hbm>>
        %dma_start3A_27 = arith.constant 0 : i32
        %dma_start3A_28 = tpu.memref_slice %dma_start3A_26[%mul3A_18, %dma_start3A_27] : memref<160x64xi32, #tpu.memory_space<hbm>> -> memref<40x64xi32, #tpu.memory_space<hbm>>
        %dma_start3A_29 = arith.constant 0 : i32
        %dma_start3A_30 = arith.constant 0 : i32
        %dma_start3A_31 = tpu.memref_slice %arg2[%add3A, %dma_start3A_29, %dma_start3A_30] : memref<32x160x64xi32, #tpu.memory_space<hbm>> -> memref<1x160x64xi32, #tpu.memory_space<hbm>>
        %dma_start3A_32 = tpu.memref_squeeze %dma_start3A_31 : memref<1x160x64xi32, #tpu.memory_space<hbm>> -> memref<160x64xi32, #tpu.memory_space<hbm>>
        %dma_start3A_33 = arith.constant 0 : i32
        %dma_start3A_34 = tpu.memref_slice %dma_start3A_32[%mul3A_18, %dma_start3A_33] : memref<160x64xi32, #tpu.memory_space<hbm>> -> memref<40x64xi32, #tpu.memory_space<hbm>>
        tpu.enqueue_dma source(%dma_start3A_34 : memref<40x64xi32, #tpu.memory_space<hbm>>) target(%arg6 : memref<40x64xi32, #tpu.memory_space<vmem>>) target_semaphore(%run_scoped3A : memref<!tpu.dma_semaphore, #tpu.memory_space<semaphore_mem>>)
        %dma_wait3A = arith.constant 0 : i32
        %dma_wait3A_35 = arith.constant 0 : i32
        %dma_wait3A_36 = tpu.memref_slice %arg2[%add3A, %dma_wait3A, %dma_wait3A_35] : memref<32x160x64xi32, #tpu.memory_space<hbm>> -> memref<1x160x64xi32, #tpu.memory_space<hbm>>
        %dma_wait3A_37 = tpu.memref_squeeze %dma_wait3A_36 : memref<1x160x64xi32, #tpu.memory_space<hbm>> -> memref<160x64xi32, #tpu.memory_space<hbm>>
        %dma_wait3A_38 = arith.constant 0 : i32
        %dma_wait3A_39 = tpu.memref_slice %dma_wait3A_37[%mul3A_18, %dma_wait3A_38] : memref<160x64xi32, #tpu.memory_space<hbm>> -> memref<40x64xi32, #tpu.memory_space<hbm>>
        %dma_wait3A_40 = arith.constant 0 : i32
        %dma_wait3A_41 = arith.constant 0 : i32
        %dma_wait3A_42 = tpu.memref_slice %arg2[%add3A, %dma_wait3A_40, %dma_wait3A_41] : memref<32x160x64xi32, #tpu.memory_space<hbm>> -> memref<1x160x64xi32, #tpu.memory_space<hbm>>
        %dma_wait3A_43 = tpu.memref_squeeze %dma_wait3A_42 : memref<1x160x64xi32, #tpu.memory_space<hbm>> -> memref<160x64xi32, #tpu.memory_space<hbm>>
        %dma_wait3A_44 = arith.constant 0 : i32
        %dma_wait3A_45 = tpu.memref_slice %dma_wait3A_43[%mul3A_18, %dma_wait3A_44] : memref<160x64xi32, #tpu.memory_space<hbm>> -> memref<40x64xi32, #tpu.memory_space<hbm>>
        tpu.wait_dma2 semaphore(%run_scoped3A : memref<!tpu.dma_semaphore, #tpu.memory_space<semaphore_mem>>) src(%dma_wait3A_45 : memref<40x64xi32, #tpu.memory_space<hbm>>) dst(%arg6 : memref<40x64xi32, #tpu.memory_space<vmem>>)
        tpu.yield
      }) : () -> ()
      %scan3A_19 = arith.constant 0 : i32
      %scan3A_20 = arith.constant 40 : i32
      %scan3A_21 = arith.addi %scan3A_19, %scan3A_20 : i32
      %scan3A_22 = arith.constant 1 : i32
      scf.for %scan3A_24 = %scan3A_19 to %scan3A_21 step %scan3A_22  : i32 {
        %mul3A_25 = arith.constant 1 : i32
        %mul3A_26 = arith.muli %scan3A_24, %mul3A_25 : i32
        %add3A_27 = arith.constant 0 : i32
        %add3A_28 = arith.addi %add3A_27, %mul3A_26 : i32
        "tpu.region"() ({
          %run_scoped3A = tpu.sem_alloc : memref<!tpu.dma_semaphore, #tpu.memory_space<semaphore_mem>>
          %dma_start3A = arith.constant 0 : i32
          %dma_start3A_29 = tpu.memref_slice %arg6[%add3A_28, %dma_start3A] : memref<40x64xi32, #tpu.memory_space<vmem>> -> memref<1x64xi32, #tpu.memory_space<vmem>>
          %dma_start3A_30 = tpu.memref_squeeze %dma_start3A_29 : memref<1x64xi32, #tpu.memory_space<vmem>> -> memref<64xi32, #tpu.memory_space<vmem>>
          %dma_start3A_31 = arith.constant 0 : i32
          %dma_start3A_32 = arith.constant 0 : i32
          %dma_start3A_33 = tpu.memref_slice %arg8[%dma_start3A_31, %dma_start3A_32] : memref<10240x128xf32, #tpu.memory_space<vmem_shared>> -> memref<10240x128xf32, #tpu.memory_space<vmem_shared>>
          tpu.enqueue_indirect_dma source(%arg7 : memref<64x128xf32, #tpu.memory_space<vmem>>) target(%dma_start3A_33 : memref<10240x128xf32, #tpu.memory_space<vmem_shared>>) offsets(%dma_start3A_30 : memref<64xi32, #tpu.memory_space<vmem>>) semaphore(%run_scoped3A : memref<!tpu.dma_semaphore, #tpu.memory_space<semaphore_mem>>) {add = true}
          %dma_wait3A = arith.constant 0 : i32
          %dma_wait3A_34 = tpu.memref_slice %arg6[%add3A_28, %dma_wait3A] : memref<40x64xi32, #tpu.memory_space<vmem>> -> memref<1x64xi32, #tpu.memory_space<vmem>>
          %dma_wait3A_35 = tpu.memref_squeeze %dma_wait3A_34 : memref<1x64xi32, #tpu.memory_space<vmem>> -> memref<64xi32, #tpu.memory_space<vmem>>
          %dma_wait3A_36 = arith.constant 0 : i32
          %dma_wait3A_37 = arith.constant 0 : i32
          %dma_wait3A_38 = tpu.memref_slice %arg8[%dma_wait3A_36, %dma_wait3A_37] : memref<10240x128xf32, #tpu.memory_space<vmem_shared>> -> memref<10240x128xf32, #tpu.memory_space<vmem_shared>>
          tpu.wait_indirect_dma semaphore(%run_scoped3A : memref<!tpu.dma_semaphore, #tpu.memory_space<semaphore_mem>>) src(%arg7 : memref<64x128xf32, #tpu.memory_space<vmem>>) dst(%dma_wait3A_38 : memref<10240x128xf32, #tpu.memory_space<vmem_shared>>)
          tpu.yield
        }) : () -> ()
      }
      %scan3A_23 = arith.constant 40 : i32
    }
    %scan3A_6 = arith.constant 4 : i32
    %barrier3A_7 = arith.constant 0 : index
    tpu.barrier barrier_id(%barrier3A_7)
    %mul3A_8 = arith.constant 640 : i32
    %mul3A_9 = arith.muli %arg1, %mul3A_8 : i32
    %mul3A_10 = arith.constant 640 : i32
    %mul3A_11 = arith.muli %arg1, %mul3A_10 : i32
    "tpu.region"() ({
      %run_scoped3A = tpu.sem_alloc : memref<!tpu.dma_semaphore, #tpu.memory_space<semaphore_mem>>
      %dma_start3A = arith.constant 0 : i32
      %dma_start3A_12 = arith.constant 0 : i32
      %dma_start3A_13 = tpu.memref_slice %arg5[%arg0, %dma_start3A, %dma_start3A_12] : memref<2x10240x128xf32, #tpu.memory_space<hbm>> -> memref<1x10240x128xf32, #tpu.memory_space<hbm>>
      %dma_start3A_14 = tpu.memref_squeeze %dma_start3A_13 : memref<1x10240x128xf32, #tpu.memory_space<hbm>> -> memref<10240x128xf32, #tpu.memory_space<hbm>>
      %dma_start3A_15 = arith.constant 0 : i32
      %dma_start3A_16 = tpu.memref_slice %dma_start3A_14[%mul3A_11, %dma_start3A_15] : memref<10240x128xf32, #tpu.memory_space<hbm>> -> memref<640x128xf32, #tpu.memory_space<hbm>>
      %dma_start3A_17 = arith.constant 0 : i32
      %dma_start3A_18 = tpu.memref_slice %arg8[%mul3A_9, %dma_start3A_17] : memref<10240x128xf32, #tpu.memory_space<vmem_shared>> -> memref<640x128xf32, #tpu.memory_space<vmem_shared>>
      tpu.enqueue_dma source(%dma_start3A_18 : memref<640x128xf32, #tpu.memory_space<vmem_shared>>) target(%dma_start3A_16 : memref<640x128xf32, #tpu.memory_space<hbm>>) target_semaphore(%run_scoped3A : memref<!tpu.dma_semaphore, #tpu.memory_space<semaphore_mem>>)
      %dma_wait3A = arith.constant 0 : i32
      %dma_wait3A_19 = arith.constant 0 : i32
      %dma_wait3A_20 = tpu.memref_slice %arg5[%arg0, %dma_wait3A, %dma_wait3A_19] : memref<2x10240x128xf32, #tpu.memory_space<hbm>> -> memref<1x10240x128xf32, #tpu.memory_space<hbm>>
      %dma_wait3A_21 = tpu.memref_squeeze %dma_wait3A_20 : memref<1x10240x128xf32, #tpu.memory_space<hbm>> -> memref<10240x128xf32, #tpu.memory_space<hbm>>
      %dma_wait3A_22 = arith.constant 0 : i32
      %dma_wait3A_23 = tpu.memref_slice %dma_wait3A_21[%mul3A_11, %dma_wait3A_22] : memref<10240x128xf32, #tpu.memory_space<hbm>> -> memref<640x128xf32, #tpu.memory_space<hbm>>
      %dma_wait3A_24 = arith.constant 0 : i32
      %dma_wait3A_25 = tpu.memref_slice %arg8[%mul3A_9, %dma_wait3A_24] : memref<10240x128xf32, #tpu.memory_space<vmem_shared>> -> memref<640x128xf32, #tpu.memory_space<vmem_shared>>
      tpu.wait_dma2 semaphore(%run_scoped3A : memref<!tpu.dma_semaphore, #tpu.memory_space<semaphore_mem>>) src(%dma_wait3A_25 : memref<640x128xf32, #tpu.memory_space<vmem_shared>>) dst(%dma_wait3A_23 : memref<640x128xf32, #tpu.memory_space<hbm>>)
      tpu.yield
    }) : () -> ()
    return
  }
}

#map = affine_map<(d0, d1) -> (0, 0)>
#map1 = affine_map<(d0, d1) -> (0, 0, 0)>
module attributes {stable_mosaic.version = 14 : i64} {
  func.func @agg(%arg0: i32, %arg1: i32, %arg2: memref<10240x128xf32, #tpu.memory_space<hbm>>, %arg3: memref<32x160x64xi32, #tpu.memory_space<hbm>>, %arg4: memref<32x160x64xi32, #tpu.memory_space<hbm>>, %arg5: memref<640x128xf32, #tpu.memory_space<hbm>>, %arg6: memref<2x10240x128xf32, #tpu.memory_space<hbm>>, %arg7: memref<40x64xi32, #tpu.memory_space<vmem>>, %arg8: memref<40x64xi32, #tpu.memory_space<vmem>>, %arg9: memref<64x128xf32, #tpu.memory_space<vmem>>, %arg10: memref<64x128xf32, #tpu.memory_space<vmem>>, %arg11: memref<64x128xf32, #tpu.memory_space<vmem>>, %arg12: memref<64x128xf32, #tpu.memory_space<vmem>>, %arg13: memref<10240x128xf32, #tpu.memory_space<vmem_shared>>, %arg14: memref<!tpu.dma_semaphore, #tpu.memory_space<semaphore_mem>>, %arg15: memref<!tpu.dma_semaphore, #tpu.memory_space<semaphore_mem>>, %arg16: memref<!tpu.dma_semaphore, #tpu.memory_space<semaphore_mem>>, %arg17: memref<!tpu.dma_semaphore, #tpu.memory_space<semaphore_mem>>) attributes {dimension_semantics = [#tpu.dimension_semantics<core_parallel>, #tpu.dimension_semantics<subcore_parallel>], iteration_bounds = array<i64: 2, 16>, scalar_prefetch = 0 : i64, scratch_operands = 11 : i64, tpu.core_type = #tpu.core_type<sc_vector_subcore>, window_params = [{transform_indices = #map}, {transform_indices = #map1}, {transform_indices = #map1}, {transform_indices = #map}, {transform_indices = #map1}]} {
    %mul3A = arith.constant 2 : i32
    %mul3A_0 = arith.muli %arg1, %mul3A : i32
    %add3A = arith.addi %mul3A_0, %arg0 : i32
    %mul3A_1 = arith.constant 640 : i32
    %mul3A_2 = arith.muli %arg1, %mul3A_1 : i32
    "tpu.region"() ({
      %run_scoped3A = tpu.sem_alloc : memref<!tpu.dma_semaphore, #tpu.memory_space<semaphore_mem>>
      %dma_start3A = arith.constant 0 : i32
      %dma_start3A_12 = tpu.memref_slice %arg13[%mul3A_2, %dma_start3A] : memref<10240x128xf32, #tpu.memory_space<vmem_shared>> -> memref<640x128xf32, #tpu.memory_space<vmem_shared>>
      tpu.enqueue_dma source(%arg5 : memref<640x128xf32, #tpu.memory_space<hbm>>) target(%dma_start3A_12 : memref<640x128xf32, #tpu.memory_space<vmem_shared>>) target_semaphore(%run_scoped3A : memref<!tpu.dma_semaphore, #tpu.memory_space<semaphore_mem>>)
      %dma_wait3A = arith.constant 0 : i32
      %dma_wait3A_13 = tpu.memref_slice %arg13[%mul3A_2, %dma_wait3A] : memref<10240x128xf32, #tpu.memory_space<vmem_shared>> -> memref<640x128xf32, #tpu.memory_space<vmem_shared>>
      tpu.wait_dma2 semaphore(%run_scoped3A : memref<!tpu.dma_semaphore, #tpu.memory_space<semaphore_mem>>) src(%arg5 : memref<640x128xf32, #tpu.memory_space<hbm>>) dst(%dma_wait3A_13 : memref<640x128xf32, #tpu.memory_space<vmem_shared>>)
      tpu.yield
    }) : () -> ()
    %barrier3A = arith.constant 0 : index
    tpu.barrier barrier_id(%barrier3A)
    %scan3A = arith.constant 0 : i32
    %scan3A_3 = arith.constant 4 : i32
    %scan3A_4 = arith.addi %scan3A, %scan3A_3 : i32
    %scan3A_5 = arith.constant 1 : i32
    scf.for %scan3A_12 = %scan3A to %scan3A_4 step %scan3A_5  : i32 {
      %mul3A_13 = arith.constant 1 : i32
      %mul3A_14 = arith.muli %scan3A_12, %mul3A_13 : i32
      %add3A_15 = arith.constant 0 : i32
      %add3A_16 = arith.addi %add3A_15, %mul3A_14 : i32
      %mul3A_17 = arith.constant 40 : i32
      %mul3A_18 = arith.muli %add3A_16, %mul3A_17 : i32
      "tpu.region"() ({
        %run_scoped3A_83 = tpu.sem_alloc : memref<!tpu.dma_semaphore, #tpu.memory_space<semaphore_mem>>
        %dma_start3A_84 = arith.constant 0 : i32
        %dma_start3A_85 = arith.constant 0 : i32
        %dma_start3A_86 = tpu.memref_slice %arg3[%add3A, %dma_start3A_84, %dma_start3A_85] : memref<32x160x64xi32, #tpu.memory_space<hbm>> -> memref<1x160x64xi32, #tpu.memory_space<hbm>>
        %dma_start3A_87 = tpu.memref_squeeze %dma_start3A_86 : memref<1x160x64xi32, #tpu.memory_space<hbm>> -> memref<160x64xi32, #tpu.memory_space<hbm>>
        %dma_start3A_88 = arith.constant 0 : i32
        %dma_start3A_89 = tpu.memref_slice %dma_start3A_87[%mul3A_18, %dma_start3A_88] : memref<160x64xi32, #tpu.memory_space<hbm>> -> memref<40x64xi32, #tpu.memory_space<hbm>>
        %dma_start3A_90 = arith.constant 0 : i32
        %dma_start3A_91 = arith.constant 0 : i32
        %dma_start3A_92 = tpu.memref_slice %arg3[%add3A, %dma_start3A_90, %dma_start3A_91] : memref<32x160x64xi32, #tpu.memory_space<hbm>> -> memref<1x160x64xi32, #tpu.memory_space<hbm>>
        %dma_start3A_93 = tpu.memref_squeeze %dma_start3A_92 : memref<1x160x64xi32, #tpu.memory_space<hbm>> -> memref<160x64xi32, #tpu.memory_space<hbm>>
        %dma_start3A_94 = arith.constant 0 : i32
        %dma_start3A_95 = tpu.memref_slice %dma_start3A_93[%mul3A_18, %dma_start3A_94] : memref<160x64xi32, #tpu.memory_space<hbm>> -> memref<40x64xi32, #tpu.memory_space<hbm>>
        tpu.enqueue_dma source(%dma_start3A_95 : memref<40x64xi32, #tpu.memory_space<hbm>>) target(%arg7 : memref<40x64xi32, #tpu.memory_space<vmem>>) target_semaphore(%run_scoped3A_83 : memref<!tpu.dma_semaphore, #tpu.memory_space<semaphore_mem>>)
        %dma_wait3A_96 = arith.constant 0 : i32
        %dma_wait3A_97 = arith.constant 0 : i32
        %dma_wait3A_98 = tpu.memref_slice %arg3[%add3A, %dma_wait3A_96, %dma_wait3A_97] : memref<32x160x64xi32, #tpu.memory_space<hbm>> -> memref<1x160x64xi32, #tpu.memory_space<hbm>>
        %dma_wait3A_99 = tpu.memref_squeeze %dma_wait3A_98 : memref<1x160x64xi32, #tpu.memory_space<hbm>> -> memref<160x64xi32, #tpu.memory_space<hbm>>
        %dma_wait3A_100 = arith.constant 0 : i32
        %dma_wait3A_101 = tpu.memref_slice %dma_wait3A_99[%mul3A_18, %dma_wait3A_100] : memref<160x64xi32, #tpu.memory_space<hbm>> -> memref<40x64xi32, #tpu.memory_space<hbm>>
        %dma_wait3A_102 = arith.constant 0 : i32
        %dma_wait3A_103 = arith.constant 0 : i32
        %dma_wait3A_104 = tpu.memref_slice %arg3[%add3A, %dma_wait3A_102, %dma_wait3A_103] : memref<32x160x64xi32, #tpu.memory_space<hbm>> -> memref<1x160x64xi32, #tpu.memory_space<hbm>>
        %dma_wait3A_105 = tpu.memref_squeeze %dma_wait3A_104 : memref<1x160x64xi32, #tpu.memory_space<hbm>> -> memref<160x64xi32, #tpu.memory_space<hbm>>
        %dma_wait3A_106 = arith.constant 0 : i32
        %dma_wait3A_107 = tpu.memref_slice %dma_wait3A_105[%mul3A_18, %dma_wait3A_106] : memref<160x64xi32, #tpu.memory_space<hbm>> -> memref<40x64xi32, #tpu.memory_space<hbm>>
        tpu.wait_dma2 semaphore(%run_scoped3A_83 : memref<!tpu.dma_semaphore, #tpu.memory_space<semaphore_mem>>) src(%dma_wait3A_107 : memref<40x64xi32, #tpu.memory_space<hbm>>) dst(%arg7 : memref<40x64xi32, #tpu.memory_space<vmem>>)
        tpu.yield
      }) : () -> ()
      %mul3A_19 = arith.constant 40 : i32
      %mul3A_20 = arith.muli %add3A_16, %mul3A_19 : i32
      "tpu.region"() ({
        %run_scoped3A_83 = tpu.sem_alloc : memref<!tpu.dma_semaphore, #tpu.memory_space<semaphore_mem>>
        %dma_start3A_84 = arith.constant 0 : i32
        %dma_start3A_85 = arith.constant 0 : i32
        %dma_start3A_86 = tpu.memref_slice %arg4[%add3A, %dma_start3A_84, %dma_start3A_85] : memref<32x160x64xi32, #tpu.memory_space<hbm>> -> memref<1x160x64xi32, #tpu.memory_space<hbm>>
        %dma_start3A_87 = tpu.memref_squeeze %dma_start3A_86 : memref<1x160x64xi32, #tpu.memory_space<hbm>> -> memref<160x64xi32, #tpu.memory_space<hbm>>
        %dma_start3A_88 = arith.constant 0 : i32
        %dma_start3A_89 = tpu.memref_slice %dma_start3A_87[%mul3A_20, %dma_start3A_88] : memref<160x64xi32, #tpu.memory_space<hbm>> -> memref<40x64xi32, #tpu.memory_space<hbm>>
        %dma_start3A_90 = arith.constant 0 : i32
        %dma_start3A_91 = arith.constant 0 : i32
        %dma_start3A_92 = tpu.memref_slice %arg4[%add3A, %dma_start3A_90, %dma_start3A_91] : memref<32x160x64xi32, #tpu.memory_space<hbm>> -> memref<1x160x64xi32, #tpu.memory_space<hbm>>
        %dma_start3A_93 = tpu.memref_squeeze %dma_start3A_92 : memref<1x160x64xi32, #tpu.memory_space<hbm>> -> memref<160x64xi32, #tpu.memory_space<hbm>>
        %dma_start3A_94 = arith.constant 0 : i32
        %dma_start3A_95 = tpu.memref_slice %dma_start3A_93[%mul3A_20, %dma_start3A_94] : memref<160x64xi32, #tpu.memory_space<hbm>> -> memref<40x64xi32, #tpu.memory_space<hbm>>
        tpu.enqueue_dma source(%dma_start3A_95 : memref<40x64xi32, #tpu.memory_space<hbm>>) target(%arg8 : memref<40x64xi32, #tpu.memory_space<vmem>>) target_semaphore(%run_scoped3A_83 : memref<!tpu.dma_semaphore, #tpu.memory_space<semaphore_mem>>)
        %dma_wait3A_96 = arith.constant 0 : i32
        %dma_wait3A_97 = arith.constant 0 : i32
        %dma_wait3A_98 = tpu.memref_slice %arg4[%add3A, %dma_wait3A_96, %dma_wait3A_97] : memref<32x160x64xi32, #tpu.memory_space<hbm>> -> memref<1x160x64xi32, #tpu.memory_space<hbm>>
        %dma_wait3A_99 = tpu.memref_squeeze %dma_wait3A_98 : memref<1x160x64xi32, #tpu.memory_space<hbm>> -> memref<160x64xi32, #tpu.memory_space<hbm>>
        %dma_wait3A_100 = arith.constant 0 : i32
        %dma_wait3A_101 = tpu.memref_slice %dma_wait3A_99[%mul3A_20, %dma_wait3A_100] : memref<160x64xi32, #tpu.memory_space<hbm>> -> memref<40x64xi32, #tpu.memory_space<hbm>>
        %dma_wait3A_102 = arith.constant 0 : i32
        %dma_wait3A_103 = arith.constant 0 : i32
        %dma_wait3A_104 = tpu.memref_slice %arg4[%add3A, %dma_wait3A_102, %dma_wait3A_103] : memref<32x160x64xi32, #tpu.memory_space<hbm>> -> memref<1x160x64xi32, #tpu.memory_space<hbm>>
        %dma_wait3A_105 = tpu.memref_squeeze %dma_wait3A_104 : memref<1x160x64xi32, #tpu.memory_space<hbm>> -> memref<160x64xi32, #tpu.memory_space<hbm>>
        %dma_wait3A_106 = arith.constant 0 : i32
        %dma_wait3A_107 = tpu.memref_slice %dma_wait3A_105[%mul3A_20, %dma_wait3A_106] : memref<160x64xi32, #tpu.memory_space<hbm>> -> memref<40x64xi32, #tpu.memory_space<hbm>>
        tpu.wait_dma2 semaphore(%run_scoped3A_83 : memref<!tpu.dma_semaphore, #tpu.memory_space<semaphore_mem>>) src(%dma_wait3A_107 : memref<40x64xi32, #tpu.memory_space<hbm>>) dst(%arg8 : memref<40x64xi32, #tpu.memory_space<vmem>>)
        tpu.yield
      }) : () -> ()
      %dma_start3A = arith.constant 0 : i32
      %dma_start3A_21 = arith.constant 0 : i32
      %dma_start3A_22 = tpu.memref_slice %arg7[%dma_start3A, %dma_start3A_21] : memref<40x64xi32, #tpu.memory_space<vmem>> -> memref<1x64xi32, #tpu.memory_space<vmem>>
      %dma_start3A_23 = tpu.memref_squeeze %dma_start3A_22 : memref<1x64xi32, #tpu.memory_space<vmem>> -> memref<64xi32, #tpu.memory_space<vmem>>
      %dma_start3A_24 = arith.constant 0 : i32
      %dma_start3A_25 = arith.constant 0 : i32
      %dma_start3A_26 = tpu.memref_slice %arg2[%dma_start3A_24, %dma_start3A_25] : memref<10240x128xf32, #tpu.memory_space<hbm>> -> memref<10240x128xf32, #tpu.memory_space<hbm>>
      tpu.enqueue_indirect_dma source(%dma_start3A_26 : memref<10240x128xf32, #tpu.memory_space<hbm>>) target(%arg9 : memref<64x128xf32, #tpu.memory_space<vmem>>) offsets(%dma_start3A_23 : memref<64xi32, #tpu.memory_space<vmem>>) semaphore(%arg14 : memref<!tpu.dma_semaphore, #tpu.memory_space<semaphore_mem>>)
      %dma_start3A_27 = arith.constant 1 : i32
      %dma_start3A_28 = arith.constant 0 : i32
      %dma_start3A_29 = tpu.memref_slice %arg7[%dma_start3A_27, %dma_start3A_28] : memref<40x64xi32, #tpu.memory_space<vmem>> -> memref<1x64xi32, #tpu.memory_space<vmem>>
      %dma_start3A_30 = tpu.memref_squeeze %dma_start3A_29 : memref<1x64xi32, #tpu.memory_space<vmem>> -> memref<64xi32, #tpu.memory_space<vmem>>
      %dma_start3A_31 = arith.constant 0 : i32
      %dma_start3A_32 = arith.constant 0 : i32
      %dma_start3A_33 = tpu.memref_slice %arg2[%dma_start3A_31, %dma_start3A_32] : memref<10240x128xf32, #tpu.memory_space<hbm>> -> memref<10240x128xf32, #tpu.memory_space<hbm>>
      tpu.enqueue_indirect_dma source(%dma_start3A_33 : memref<10240x128xf32, #tpu.memory_space<hbm>>) target(%arg10 : memref<64x128xf32, #tpu.memory_space<vmem>>) offsets(%dma_start3A_30 : memref<64xi32, #tpu.memory_space<vmem>>) semaphore(%arg15 : memref<!tpu.dma_semaphore, #tpu.memory_space<semaphore_mem>>)
      %dma_start3A_34 = arith.constant 2 : i32
      %dma_start3A_35 = arith.constant 0 : i32
      %dma_start3A_36 = tpu.memref_slice %arg7[%dma_start3A_34, %dma_start3A_35] : memref<40x64xi32, #tpu.memory_space<vmem>> -> memref<1x64xi32, #tpu.memory_space<vmem>>
      %dma_start3A_37 = tpu.memref_squeeze %dma_start3A_36 : memref<1x64xi32, #tpu.memory_space<vmem>> -> memref<64xi32, #tpu.memory_space<vmem>>
      %dma_start3A_38 = arith.constant 0 : i32
      %dma_start3A_39 = arith.constant 0 : i32
      %dma_start3A_40 = tpu.memref_slice %arg2[%dma_start3A_38, %dma_start3A_39] : memref<10240x128xf32, #tpu.memory_space<hbm>> -> memref<10240x128xf32, #tpu.memory_space<hbm>>
      tpu.enqueue_indirect_dma source(%dma_start3A_40 : memref<10240x128xf32, #tpu.memory_space<hbm>>) target(%arg11 : memref<64x128xf32, #tpu.memory_space<vmem>>) offsets(%dma_start3A_37 : memref<64xi32, #tpu.memory_space<vmem>>) semaphore(%arg16 : memref<!tpu.dma_semaphore, #tpu.memory_space<semaphore_mem>>)
      %dma_start3A_41 = arith.constant 3 : i32
      %dma_start3A_42 = arith.constant 0 : i32
      %dma_start3A_43 = tpu.memref_slice %arg7[%dma_start3A_41, %dma_start3A_42] : memref<40x64xi32, #tpu.memory_space<vmem>> -> memref<1x64xi32, #tpu.memory_space<vmem>>
      %dma_start3A_44 = tpu.memref_squeeze %dma_start3A_43 : memref<1x64xi32, #tpu.memory_space<vmem>> -> memref<64xi32, #tpu.memory_space<vmem>>
      %dma_start3A_45 = arith.constant 0 : i32
      %dma_start3A_46 = arith.constant 0 : i32
      %dma_start3A_47 = tpu.memref_slice %arg2[%dma_start3A_45, %dma_start3A_46] : memref<10240x128xf32, #tpu.memory_space<hbm>> -> memref<10240x128xf32, #tpu.memory_space<hbm>>
      tpu.enqueue_indirect_dma source(%dma_start3A_47 : memref<10240x128xf32, #tpu.memory_space<hbm>>) target(%arg12 : memref<64x128xf32, #tpu.memory_space<vmem>>) offsets(%dma_start3A_44 : memref<64xi32, #tpu.memory_space<vmem>>) semaphore(%arg17 : memref<!tpu.dma_semaphore, #tpu.memory_space<semaphore_mem>>)
      %scan3A_48 = arith.constant 0 : i32
      %scan3A_49 = arith.constant 9 : i32
      %scan3A_50 = arith.addi %scan3A_48, %scan3A_49 : i32
      %scan3A_51 = arith.constant 1 : i32
      scf.for %scan3A_83 = %scan3A_48 to %scan3A_50 step %scan3A_51  : i32 {
        %mul3A_84 = arith.constant 1 : i32
        %mul3A_85 = arith.muli %scan3A_83, %mul3A_84 : i32
        %add3A_86 = arith.constant 0 : i32
        %add3A_87 = arith.addi %add3A_86, %mul3A_85 : i32
        %mul3A_88 = arith.constant 4 : i32
        %mul3A_89 = arith.muli %add3A_87, %mul3A_88 : i32
        %add3A_90 = arith.constant 0 : i32
        %add3A_91 = arith.addi %mul3A_89, %add3A_90 : i32
        %dma_wait3A_92 = arith.constant 0 : i32
        %dma_wait3A_93 = tpu.memref_slice %arg7[%add3A_91, %dma_wait3A_92] : memref<40x64xi32, #tpu.memory_space<vmem>> -> memref<1x64xi32, #tpu.memory_space<vmem>>
        %dma_wait3A_94 = tpu.memref_squeeze %dma_wait3A_93 : memref<1x64xi32, #tpu.memory_space<vmem>> -> memref<64xi32, #tpu.memory_space<vmem>>
        %dma_wait3A_95 = arith.constant 0 : i32
        %dma_wait3A_96 = arith.constant 0 : i32
        %dma_wait3A_97 = tpu.memref_slice %arg2[%dma_wait3A_95, %dma_wait3A_96] : memref<10240x128xf32, #tpu.memory_space<hbm>> -> memref<10240x128xf32, #tpu.memory_space<hbm>>
        tpu.wait_indirect_dma semaphore(%arg14 : memref<!tpu.dma_semaphore, #tpu.memory_space<semaphore_mem>>) src(%dma_wait3A_97 : memref<10240x128xf32, #tpu.memory_space<hbm>>) dst(%arg9 : memref<64x128xf32, #tpu.memory_space<vmem>>)
        %add3A_98 = arith.constant 0 : i32
        %add3A_99 = arith.addi %mul3A_89, %add3A_98 : i32
        "tpu.region"() ({
          %run_scoped3A_170 = tpu.sem_alloc : memref<!tpu.dma_semaphore, #tpu.memory_space<semaphore_mem>>
          %dma_start3A_171 = arith.constant 0 : i32
          %dma_start3A_172 = tpu.memref_slice %arg8[%add3A_99, %dma_start3A_171] : memref<40x64xi32, #tpu.memory_space<vmem>> -> memref<1x64xi32, #tpu.memory_space<vmem>>
          %dma_start3A_173 = tpu.memref_squeeze %dma_start3A_172 : memref<1x64xi32, #tpu.memory_space<vmem>> -> memref<64xi32, #tpu.memory_space<vmem>>
          %dma_start3A_174 = arith.constant 0 : i32
          %dma_start3A_175 = arith.constant 0 : i32
          %dma_start3A_176 = tpu.memref_slice %arg13[%dma_start3A_174, %dma_start3A_175] : memref<10240x128xf32, #tpu.memory_space<vmem_shared>> -> memref<10240x128xf32, #tpu.memory_space<vmem_shared>>
          tpu.enqueue_indirect_dma source(%arg9 : memref<64x128xf32, #tpu.memory_space<vmem>>) target(%dma_start3A_176 : memref<10240x128xf32, #tpu.memory_space<vmem_shared>>) offsets(%dma_start3A_173 : memref<64xi32, #tpu.memory_space<vmem>>) semaphore(%run_scoped3A_170 : memref<!tpu.dma_semaphore, #tpu.memory_space<semaphore_mem>>) {add = true}
          %dma_wait3A_177 = arith.constant 0 : i32
          %dma_wait3A_178 = tpu.memref_slice %arg8[%add3A_99, %dma_wait3A_177] : memref<40x64xi32, #tpu.memory_space<vmem>> -> memref<1x64xi32, #tpu.memory_space<vmem>>
          %dma_wait3A_179 = tpu.memref_squeeze %dma_wait3A_178 : memref<1x64xi32, #tpu.memory_space<vmem>> -> memref<64xi32, #tpu.memory_space<vmem>>
          %dma_wait3A_180 = arith.constant 0 : i32
          %dma_wait3A_181 = arith.constant 0 : i32
          %dma_wait3A_182 = tpu.memref_slice %arg13[%dma_wait3A_180, %dma_wait3A_181] : memref<10240x128xf32, #tpu.memory_space<vmem_shared>> -> memref<10240x128xf32, #tpu.memory_space<vmem_shared>>
          tpu.wait_indirect_dma semaphore(%run_scoped3A_170 : memref<!tpu.dma_semaphore, #tpu.memory_space<semaphore_mem>>) src(%arg9 : memref<64x128xf32, #tpu.memory_space<vmem>>) dst(%dma_wait3A_182 : memref<10240x128xf32, #tpu.memory_space<vmem_shared>>)
          tpu.yield
        }) : () -> ()
        %add3A_100 = arith.constant 4 : i32
        %add3A_101 = arith.addi %mul3A_89, %add3A_100 : i32
        %add3A_102 = arith.constant 0 : i32
        %add3A_103 = arith.addi %add3A_101, %add3A_102 : i32
        %dma_start3A_104 = arith.constant 0 : i32
        %dma_start3A_105 = tpu.memref_slice %arg7[%add3A_103, %dma_start3A_104] : memref<40x64xi32, #tpu.memory_space<vmem>> -> memref<1x64xi32, #tpu.memory_space<vmem>>
        %dma_start3A_106 = tpu.memref_squeeze %dma_start3A_105 : memref<1x64xi32, #tpu.memory_space<vmem>> -> memref<64xi32, #tpu.memory_space<vmem>>
        %dma_start3A_107 = arith.constant 0 : i32
        %dma_start3A_108 = arith.constant 0 : i32
        %dma_start3A_109 = tpu.memref_slice %arg2[%dma_start3A_107, %dma_start3A_108] : memref<10240x128xf32, #tpu.memory_space<hbm>> -> memref<10240x128xf32, #tpu.memory_space<hbm>>
        tpu.enqueue_indirect_dma source(%dma_start3A_109 : memref<10240x128xf32, #tpu.memory_space<hbm>>) target(%arg9 : memref<64x128xf32, #tpu.memory_space<vmem>>) offsets(%dma_start3A_106 : memref<64xi32, #tpu.memory_space<vmem>>) semaphore(%arg14 : memref<!tpu.dma_semaphore, #tpu.memory_space<semaphore_mem>>)
        %add3A_110 = arith.constant 1 : i32
        %add3A_111 = arith.addi %mul3A_89, %add3A_110 : i32
        %dma_wait3A_112 = arith.constant 0 : i32
        %dma_wait3A_113 = tpu.memref_slice %arg7[%add3A_111, %dma_wait3A_112] : memref<40x64xi32, #tpu.memory_space<vmem>> -> memref<1x64xi32, #tpu.memory_space<vmem>>
        %dma_wait3A_114 = tpu.memref_squeeze %dma_wait3A_113 : memref<1x64xi32, #tpu.memory_space<vmem>> -> memref<64xi32, #tpu.memory_space<vmem>>
        %dma_wait3A_115 = arith.constant 0 : i32
        %dma_wait3A_116 = arith.constant 0 : i32
        %dma_wait3A_117 = tpu.memref_slice %arg2[%dma_wait3A_115, %dma_wait3A_116] : memref<10240x128xf32, #tpu.memory_space<hbm>> -> memref<10240x128xf32, #tpu.memory_space<hbm>>
        tpu.wait_indirect_dma semaphore(%arg15 : memref<!tpu.dma_semaphore, #tpu.memory_space<semaphore_mem>>) src(%dma_wait3A_117 : memref<10240x128xf32, #tpu.memory_space<hbm>>) dst(%arg10 : memref<64x128xf32, #tpu.memory_space<vmem>>)
        %add3A_118 = arith.constant 1 : i32
        %add3A_119 = arith.addi %mul3A_89, %add3A_118 : i32
        "tpu.region"() ({
          %run_scoped3A_170 = tpu.sem_alloc : memref<!tpu.dma_semaphore, #tpu.memory_space<semaphore_mem>>
          %dma_start3A_171 = arith.constant 0 : i32
          %dma_start3A_172 = tpu.memref_slice %arg8[%add3A_119, %dma_start3A_171] : memref<40x64xi32, #tpu.memory_space<vmem>> -> memref<1x64xi32, #tpu.memory_space<vmem>>
          %dma_start3A_173 = tpu.memref_squeeze %dma_start3A_172 : memref<1x64xi32, #tpu.memory_space<vmem>> -> memref<64xi32, #tpu.memory_space<vmem>>
          %dma_start3A_174 = arith.constant 0 : i32
          %dma_start3A_175 = arith.constant 0 : i32
          %dma_start3A_176 = tpu.memref_slice %arg13[%dma_start3A_174, %dma_start3A_175] : memref<10240x128xf32, #tpu.memory_space<vmem_shared>> -> memref<10240x128xf32, #tpu.memory_space<vmem_shared>>
          tpu.enqueue_indirect_dma source(%arg10 : memref<64x128xf32, #tpu.memory_space<vmem>>) target(%dma_start3A_176 : memref<10240x128xf32, #tpu.memory_space<vmem_shared>>) offsets(%dma_start3A_173 : memref<64xi32, #tpu.memory_space<vmem>>) semaphore(%run_scoped3A_170 : memref<!tpu.dma_semaphore, #tpu.memory_space<semaphore_mem>>) {add = true}
          %dma_wait3A_177 = arith.constant 0 : i32
          %dma_wait3A_178 = tpu.memref_slice %arg8[%add3A_119, %dma_wait3A_177] : memref<40x64xi32, #tpu.memory_space<vmem>> -> memref<1x64xi32, #tpu.memory_space<vmem>>
          %dma_wait3A_179 = tpu.memref_squeeze %dma_wait3A_178 : memref<1x64xi32, #tpu.memory_space<vmem>> -> memref<64xi32, #tpu.memory_space<vmem>>
          %dma_wait3A_180 = arith.constant 0 : i32
          %dma_wait3A_181 = arith.constant 0 : i32
          %dma_wait3A_182 = tpu.memref_slice %arg13[%dma_wait3A_180, %dma_wait3A_181] : memref<10240x128xf32, #tpu.memory_space<vmem_shared>> -> memref<10240x128xf32, #tpu.memory_space<vmem_shared>>
          tpu.wait_indirect_dma semaphore(%run_scoped3A_170 : memref<!tpu.dma_semaphore, #tpu.memory_space<semaphore_mem>>) src(%arg10 : memref<64x128xf32, #tpu.memory_space<vmem>>) dst(%dma_wait3A_182 : memref<10240x128xf32, #tpu.memory_space<vmem_shared>>)
          tpu.yield
        }) : () -> ()
        %add3A_120 = arith.constant 4 : i32
        %add3A_121 = arith.addi %mul3A_89, %add3A_120 : i32
        %add3A_122 = arith.constant 1 : i32
        %add3A_123 = arith.addi %add3A_121, %add3A_122 : i32
        %dma_start3A_124 = arith.constant 0 : i32
        %dma_start3A_125 = tpu.memref_slice %arg7[%add3A_123, %dma_start3A_124] : memref<40x64xi32, #tpu.memory_space<vmem>> -> memref<1x64xi32, #tpu.memory_space<vmem>>
        %dma_start3A_126 = tpu.memref_squeeze %dma_start3A_125 : memref<1x64xi32, #tpu.memory_space<vmem>> -> memref<64xi32, #tpu.memory_space<vmem>>
        %dma_start3A_127 = arith.constant 0 : i32
        %dma_start3A_128 = arith.constant 0 : i32
        %dma_start3A_129 = tpu.memref_slice %arg2[%dma_start3A_127, %dma_start3A_128] : memref<10240x128xf32, #tpu.memory_space<hbm>> -> memref<10240x128xf32, #tpu.memory_space<hbm>>
        tpu.enqueue_indirect_dma source(%dma_start3A_129 : memref<10240x128xf32, #tpu.memory_space<hbm>>) target(%arg10 : memref<64x128xf32, #tpu.memory_space<vmem>>) offsets(%dma_start3A_126 : memref<64xi32, #tpu.memory_space<vmem>>) semaphore(%arg15 : memref<!tpu.dma_semaphore, #tpu.memory_space<semaphore_mem>>)
        %add3A_130 = arith.constant 2 : i32
        %add3A_131 = arith.addi %mul3A_89, %add3A_130 : i32
        %dma_wait3A_132 = arith.constant 0 : i32
        %dma_wait3A_133 = tpu.memref_slice %arg7[%add3A_131, %dma_wait3A_132] : memref<40x64xi32, #tpu.memory_space<vmem>> -> memref<1x64xi32, #tpu.memory_space<vmem>>
        %dma_wait3A_134 = tpu.memref_squeeze %dma_wait3A_133 : memref<1x64xi32, #tpu.memory_space<vmem>> -> memref<64xi32, #tpu.memory_space<vmem>>
        %dma_wait3A_135 = arith.constant 0 : i32
        %dma_wait3A_136 = arith.constant 0 : i32
        %dma_wait3A_137 = tpu.memref_slice %arg2[%dma_wait3A_135, %dma_wait3A_136] : memref<10240x128xf32, #tpu.memory_space<hbm>> -> memref<10240x128xf32, #tpu.memory_space<hbm>>
        tpu.wait_indirect_dma semaphore(%arg16 : memref<!tpu.dma_semaphore, #tpu.memory_space<semaphore_mem>>) src(%dma_wait3A_137 : memref<10240x128xf32, #tpu.memory_space<hbm>>) dst(%arg11 : memref<64x128xf32, #tpu.memory_space<vmem>>)
        %add3A_138 = arith.constant 2 : i32
        %add3A_139 = arith.addi %mul3A_89, %add3A_138 : i32
        "tpu.region"() ({
          %run_scoped3A_170 = tpu.sem_alloc : memref<!tpu.dma_semaphore, #tpu.memory_space<semaphore_mem>>
          %dma_start3A_171 = arith.constant 0 : i32
          %dma_start3A_172 = tpu.memref_slice %arg8[%add3A_139, %dma_start3A_171] : memref<40x64xi32, #tpu.memory_space<vmem>> -> memref<1x64xi32, #tpu.memory_space<vmem>>
          %dma_start3A_173 = tpu.memref_squeeze %dma_start3A_172 : memref<1x64xi32, #tpu.memory_space<vmem>> -> memref<64xi32, #tpu.memory_space<vmem>>
          %dma_start3A_174 = arith.constant 0 : i32
          %dma_start3A_175 = arith.constant 0 : i32
          %dma_start3A_176 = tpu.memref_slice %arg13[%dma_start3A_174, %dma_start3A_175] : memref<10240x128xf32, #tpu.memory_space<vmem_shared>> -> memref<10240x128xf32, #tpu.memory_space<vmem_shared>>
          tpu.enqueue_indirect_dma source(%arg11 : memref<64x128xf32, #tpu.memory_space<vmem>>) target(%dma_start3A_176 : memref<10240x128xf32, #tpu.memory_space<vmem_shared>>) offsets(%dma_start3A_173 : memref<64xi32, #tpu.memory_space<vmem>>) semaphore(%run_scoped3A_170 : memref<!tpu.dma_semaphore, #tpu.memory_space<semaphore_mem>>) {add = true}
          %dma_wait3A_177 = arith.constant 0 : i32
          %dma_wait3A_178 = tpu.memref_slice %arg8[%add3A_139, %dma_wait3A_177] : memref<40x64xi32, #tpu.memory_space<vmem>> -> memref<1x64xi32, #tpu.memory_space<vmem>>
          %dma_wait3A_179 = tpu.memref_squeeze %dma_wait3A_178 : memref<1x64xi32, #tpu.memory_space<vmem>> -> memref<64xi32, #tpu.memory_space<vmem>>
          %dma_wait3A_180 = arith.constant 0 : i32
          %dma_wait3A_181 = arith.constant 0 : i32
          %dma_wait3A_182 = tpu.memref_slice %arg13[%dma_wait3A_180, %dma_wait3A_181] : memref<10240x128xf32, #tpu.memory_space<vmem_shared>> -> memref<10240x128xf32, #tpu.memory_space<vmem_shared>>
          tpu.wait_indirect_dma semaphore(%run_scoped3A_170 : memref<!tpu.dma_semaphore, #tpu.memory_space<semaphore_mem>>) src(%arg11 : memref<64x128xf32, #tpu.memory_space<vmem>>) dst(%dma_wait3A_182 : memref<10240x128xf32, #tpu.memory_space<vmem_shared>>)
          tpu.yield
        }) : () -> ()
        %add3A_140 = arith.constant 4 : i32
        %add3A_141 = arith.addi %mul3A_89, %add3A_140 : i32
        %add3A_142 = arith.constant 2 : i32
        %add3A_143 = arith.addi %add3A_141, %add3A_142 : i32
        %dma_start3A_144 = arith.constant 0 : i32
        %dma_start3A_145 = tpu.memref_slice %arg7[%add3A_143, %dma_start3A_144] : memref<40x64xi32, #tpu.memory_space<vmem>> -> memref<1x64xi32, #tpu.memory_space<vmem>>
        %dma_start3A_146 = tpu.memref_squeeze %dma_start3A_145 : memref<1x64xi32, #tpu.memory_space<vmem>> -> memref<64xi32, #tpu.memory_space<vmem>>
        %dma_start3A_147 = arith.constant 0 : i32
        %dma_start3A_148 = arith.constant 0 : i32
        %dma_start3A_149 = tpu.memref_slice %arg2[%dma_start3A_147, %dma_start3A_148] : memref<10240x128xf32, #tpu.memory_space<hbm>> -> memref<10240x128xf32, #tpu.memory_space<hbm>>
        tpu.enqueue_indirect_dma source(%dma_start3A_149 : memref<10240x128xf32, #tpu.memory_space<hbm>>) target(%arg11 : memref<64x128xf32, #tpu.memory_space<vmem>>) offsets(%dma_start3A_146 : memref<64xi32, #tpu.memory_space<vmem>>) semaphore(%arg16 : memref<!tpu.dma_semaphore, #tpu.memory_space<semaphore_mem>>)
        %add3A_150 = arith.constant 3 : i32
        %add3A_151 = arith.addi %mul3A_89, %add3A_150 : i32
        %dma_wait3A_152 = arith.constant 0 : i32
        %dma_wait3A_153 = tpu.memref_slice %arg7[%add3A_151, %dma_wait3A_152] : memref<40x64xi32, #tpu.memory_space<vmem>> -> memref<1x64xi32, #tpu.memory_space<vmem>>
        %dma_wait3A_154 = tpu.memref_squeeze %dma_wait3A_153 : memref<1x64xi32, #tpu.memory_space<vmem>> -> memref<64xi32, #tpu.memory_space<vmem>>
        %dma_wait3A_155 = arith.constant 0 : i32
        %dma_wait3A_156 = arith.constant 0 : i32
        %dma_wait3A_157 = tpu.memref_slice %arg2[%dma_wait3A_155, %dma_wait3A_156] : memref<10240x128xf32, #tpu.memory_space<hbm>> -> memref<10240x128xf32, #tpu.memory_space<hbm>>
        tpu.wait_indirect_dma semaphore(%arg17 : memref<!tpu.dma_semaphore, #tpu.memory_space<semaphore_mem>>) src(%dma_wait3A_157 : memref<10240x128xf32, #tpu.memory_space<hbm>>) dst(%arg12 : memref<64x128xf32, #tpu.memory_space<vmem>>)
        %add3A_158 = arith.constant 3 : i32
        %add3A_159 = arith.addi %mul3A_89, %add3A_158 : i32
        "tpu.region"() ({
          %run_scoped3A_170 = tpu.sem_alloc : memref<!tpu.dma_semaphore, #tpu.memory_space<semaphore_mem>>
          %dma_start3A_171 = arith.constant 0 : i32
          %dma_start3A_172 = tpu.memref_slice %arg8[%add3A_159, %dma_start3A_171] : memref<40x64xi32, #tpu.memory_space<vmem>> -> memref<1x64xi32, #tpu.memory_space<vmem>>
          %dma_start3A_173 = tpu.memref_squeeze %dma_start3A_172 : memref<1x64xi32, #tpu.memory_space<vmem>> -> memref<64xi32, #tpu.memory_space<vmem>>
          %dma_start3A_174 = arith.constant 0 : i32
          %dma_start3A_175 = arith.constant 0 : i32
          %dma_start3A_176 = tpu.memref_slice %arg13[%dma_start3A_174, %dma_start3A_175] : memref<10240x128xf32, #tpu.memory_space<vmem_shared>> -> memref<10240x128xf32, #tpu.memory_space<vmem_shared>>
          tpu.enqueue_indirect_dma source(%arg12 : memref<64x128xf32, #tpu.memory_space<vmem>>) target(%dma_start3A_176 : memref<10240x128xf32, #tpu.memory_space<vmem_shared>>) offsets(%dma_start3A_173 : memref<64xi32, #tpu.memory_space<vmem>>) semaphore(%run_scoped3A_170 : memref<!tpu.dma_semaphore, #tpu.memory_space<semaphore_mem>>) {add = true}
          %dma_wait3A_177 = arith.constant 0 : i32
          %dma_wait3A_178 = tpu.memref_slice %arg8[%add3A_159, %dma_wait3A_177] : memref<40x64xi32, #tpu.memory_space<vmem>> -> memref<1x64xi32, #tpu.memory_space<vmem>>
          %dma_wait3A_179 = tpu.memref_squeeze %dma_wait3A_178 : memref<1x64xi32, #tpu.memory_space<vmem>> -> memref<64xi32, #tpu.memory_space<vmem>>
          %dma_wait3A_180 = arith.constant 0 : i32
          %dma_wait3A_181 = arith.constant 0 : i32
          %dma_wait3A_182 = tpu.memref_slice %arg13[%dma_wait3A_180, %dma_wait3A_181] : memref<10240x128xf32, #tpu.memory_space<vmem_shared>> -> memref<10240x128xf32, #tpu.memory_space<vmem_shared>>
          tpu.wait_indirect_dma semaphore(%run_scoped3A_170 : memref<!tpu.dma_semaphore, #tpu.memory_space<semaphore_mem>>) src(%arg12 : memref<64x128xf32, #tpu.memory_space<vmem>>) dst(%dma_wait3A_182 : memref<10240x128xf32, #tpu.memory_space<vmem_shared>>)
          tpu.yield
        }) : () -> ()
        %add3A_160 = arith.constant 4 : i32
        %add3A_161 = arith.addi %mul3A_89, %add3A_160 : i32
        %add3A_162 = arith.constant 3 : i32
        %add3A_163 = arith.addi %add3A_161, %add3A_162 : i32
        %dma_start3A_164 = arith.constant 0 : i32
        %dma_start3A_165 = tpu.memref_slice %arg7[%add3A_163, %dma_start3A_164] : memref<40x64xi32, #tpu.memory_space<vmem>> -> memref<1x64xi32, #tpu.memory_space<vmem>>
        %dma_start3A_166 = tpu.memref_squeeze %dma_start3A_165 : memref<1x64xi32, #tpu.memory_space<vmem>> -> memref<64xi32, #tpu.memory_space<vmem>>
        %dma_start3A_167 = arith.constant 0 : i32
        %dma_start3A_168 = arith.constant 0 : i32
        %dma_start3A_169 = tpu.memref_slice %arg2[%dma_start3A_167, %dma_start3A_168] : memref<10240x128xf32, #tpu.memory_space<hbm>> -> memref<10240x128xf32, #tpu.memory_space<hbm>>
        tpu.enqueue_indirect_dma source(%dma_start3A_169 : memref<10240x128xf32, #tpu.memory_space<hbm>>) target(%arg12 : memref<64x128xf32, #tpu.memory_space<vmem>>) offsets(%dma_start3A_166 : memref<64xi32, #tpu.memory_space<vmem>>) semaphore(%arg17 : memref<!tpu.dma_semaphore, #tpu.memory_space<semaphore_mem>>)
      }
      %scan3A_52 = arith.constant 9 : i32
      %dma_wait3A = arith.constant 36 : i32
      %dma_wait3A_53 = arith.constant 0 : i32
      %dma_wait3A_54 = tpu.memref_slice %arg7[%dma_wait3A, %dma_wait3A_53] : memref<40x64xi32, #tpu.memory_space<vmem>> -> memref<1x64xi32, #tpu.memory_space<vmem>>
      %dma_wait3A_55 = tpu.memref_squeeze %dma_wait3A_54 : memref<1x64xi32, #tpu.memory_space<vmem>> -> memref<64xi32, #tpu.memory_space<vmem>>
      %dma_wait3A_56 = arith.constant 0 : i32
      %dma_wait3A_57 = arith.constant 0 : i32
      %dma_wait3A_58 = tpu.memref_slice %arg2[%dma_wait3A_56, %dma_wait3A_57] : memref<10240x128xf32, #tpu.memory_space<hbm>> -> memref<10240x128xf32, #tpu.memory_space<hbm>>
      tpu.wait_indirect_dma semaphore(%arg14 : memref<!tpu.dma_semaphore, #tpu.memory_space<semaphore_mem>>) src(%dma_wait3A_58 : memref<10240x128xf32, #tpu.memory_space<hbm>>) dst(%arg9 : memref<64x128xf32, #tpu.memory_space<vmem>>)
      %run_scoped3A = arith.constant 36 : i32
      "tpu.region"() ({
        %run_scoped3A_83 = tpu.sem_alloc : memref<!tpu.dma_semaphore, #tpu.memory_space<semaphore_mem>>
        %dma_start3A_84 = arith.constant 0 : i32
        %dma_start3A_85 = tpu.memref_slice %arg8[%run_scoped3A, %dma_start3A_84] : memref<40x64xi32, #tpu.memory_space<vmem>> -> memref<1x64xi32, #tpu.memory_space<vmem>>
        %dma_start3A_86 = tpu.memref_squeeze %dma_start3A_85 : memref<1x64xi32, #tpu.memory_space<vmem>> -> memref<64xi32, #tpu.memory_space<vmem>>
        %dma_start3A_87 = arith.constant 0 : i32
        %dma_start3A_88 = arith.constant 0 : i32
        %dma_start3A_89 = tpu.memref_slice %arg13[%dma_start3A_87, %dma_start3A_88] : memref<10240x128xf32, #tpu.memory_space<vmem_shared>> -> memref<10240x128xf32, #tpu.memory_space<vmem_shared>>
        tpu.enqueue_indirect_dma source(%arg9 : memref<64x128xf32, #tpu.memory_space<vmem>>) target(%dma_start3A_89 : memref<10240x128xf32, #tpu.memory_space<vmem_shared>>) offsets(%dma_start3A_86 : memref<64xi32, #tpu.memory_space<vmem>>) semaphore(%run_scoped3A_83 : memref<!tpu.dma_semaphore, #tpu.memory_space<semaphore_mem>>) {add = true}
        %dma_wait3A_90 = arith.constant 0 : i32
        %dma_wait3A_91 = tpu.memref_slice %arg8[%run_scoped3A, %dma_wait3A_90] : memref<40x64xi32, #tpu.memory_space<vmem>> -> memref<1x64xi32, #tpu.memory_space<vmem>>
        %dma_wait3A_92 = tpu.memref_squeeze %dma_wait3A_91 : memref<1x64xi32, #tpu.memory_space<vmem>> -> memref<64xi32, #tpu.memory_space<vmem>>
        %dma_wait3A_93 = arith.constant 0 : i32
        %dma_wait3A_94 = arith.constant 0 : i32
        %dma_wait3A_95 = tpu.memref_slice %arg13[%dma_wait3A_93, %dma_wait3A_94] : memref<10240x128xf32, #tpu.memory_space<vmem_shared>> -> memref<10240x128xf32, #tpu.memory_space<vmem_shared>>
        tpu.wait_indirect_dma semaphore(%run_scoped3A_83 : memref<!tpu.dma_semaphore, #tpu.memory_space<semaphore_mem>>) src(%arg9 : memref<64x128xf32, #tpu.memory_space<vmem>>) dst(%dma_wait3A_95 : memref<10240x128xf32, #tpu.memory_space<vmem_shared>>)
        tpu.yield
      }) : () -> ()
      %dma_wait3A_59 = arith.constant 37 : i32
      %dma_wait3A_60 = arith.constant 0 : i32
      %dma_wait3A_61 = tpu.memref_slice %arg7[%dma_wait3A_59, %dma_wait3A_60] : memref<40x64xi32, #tpu.memory_space<vmem>> -> memref<1x64xi32, #tpu.memory_space<vmem>>
      %dma_wait3A_62 = tpu.memref_squeeze %dma_wait3A_61 : memref<1x64xi32, #tpu.memory_space<vmem>> -> memref<64xi32, #tpu.memory_space<vmem>>
      %dma_wait3A_63 = arith.constant 0 : i32
      %dma_wait3A_64 = arith.constant 0 : i32
      %dma_wait3A_65 = tpu.memref_slice %arg2[%dma_wait3A_63, %dma_wait3A_64] : memref<10240x128xf32, #tpu.memory_space<hbm>> -> memref<10240x128xf32, #tpu.memory_space<hbm>>
      tpu.wait_indirect_dma semaphore(%arg15 : memref<!tpu.dma_semaphore, #tpu.memory_space<semaphore_mem>>) src(%dma_wait3A_65 : memref<10240x128xf32, #tpu.memory_space<hbm>>) dst(%arg10 : memref<64x128xf32, #tpu.memory_space<vmem>>)
      %run_scoped3A_66 = arith.constant 37 : i32
      "tpu.region"() ({
        %run_scoped3A_83 = tpu.sem_alloc : memref<!tpu.dma_semaphore, #tpu.memory_space<semaphore_mem>>
        %dma_start3A_84 = arith.constant 0 : i32
        %dma_start3A_85 = tpu.memref_slice %arg8[%run_scoped3A_66, %dma_start3A_84] : memref<40x64xi32, #tpu.memory_space<vmem>> -> memref<1x64xi32, #tpu.memory_space<vmem>>
        %dma_start3A_86 = tpu.memref_squeeze %dma_start3A_85 : memref<1x64xi32, #tpu.memory_space<vmem>> -> memref<64xi32, #tpu.memory_space<vmem>>
        %dma_start3A_87 = arith.constant 0 : i32
        %dma_start3A_88 = arith.constant 0 : i32
        %dma_start3A_89 = tpu.memref_slice %arg13[%dma_start3A_87, %dma_start3A_88] : memref<10240x128xf32, #tpu.memory_space<vmem_shared>> -> memref<10240x128xf32, #tpu.memory_space<vmem_shared>>
        tpu.enqueue_indirect_dma source(%arg10 : memref<64x128xf32, #tpu.memory_space<vmem>>) target(%dma_start3A_89 : memref<10240x128xf32, #tpu.memory_space<vmem_shared>>) offsets(%dma_start3A_86 : memref<64xi32, #tpu.memory_space<vmem>>) semaphore(%run_scoped3A_83 : memref<!tpu.dma_semaphore, #tpu.memory_space<semaphore_mem>>) {add = true}
        %dma_wait3A_90 = arith.constant 0 : i32
        %dma_wait3A_91 = tpu.memref_slice %arg8[%run_scoped3A_66, %dma_wait3A_90] : memref<40x64xi32, #tpu.memory_space<vmem>> -> memref<1x64xi32, #tpu.memory_space<vmem>>
        %dma_wait3A_92 = tpu.memref_squeeze %dma_wait3A_91 : memref<1x64xi32, #tpu.memory_space<vmem>> -> memref<64xi32, #tpu.memory_space<vmem>>
        %dma_wait3A_93 = arith.constant 0 : i32
        %dma_wait3A_94 = arith.constant 0 : i32
        %dma_wait3A_95 = tpu.memref_slice %arg13[%dma_wait3A_93, %dma_wait3A_94] : memref<10240x128xf32, #tpu.memory_space<vmem_shared>> -> memref<10240x128xf32, #tpu.memory_space<vmem_shared>>
        tpu.wait_indirect_dma semaphore(%run_scoped3A_83 : memref<!tpu.dma_semaphore, #tpu.memory_space<semaphore_mem>>) src(%arg10 : memref<64x128xf32, #tpu.memory_space<vmem>>) dst(%dma_wait3A_95 : memref<10240x128xf32, #tpu.memory_space<vmem_shared>>)
        tpu.yield
      }) : () -> ()
      %dma_wait3A_67 = arith.constant 38 : i32
      %dma_wait3A_68 = arith.constant 0 : i32
      %dma_wait3A_69 = tpu.memref_slice %arg7[%dma_wait3A_67, %dma_wait3A_68] : memref<40x64xi32, #tpu.memory_space<vmem>> -> memref<1x64xi32, #tpu.memory_space<vmem>>
      %dma_wait3A_70 = tpu.memref_squeeze %dma_wait3A_69 : memref<1x64xi32, #tpu.memory_space<vmem>> -> memref<64xi32, #tpu.memory_space<vmem>>
      %dma_wait3A_71 = arith.constant 0 : i32
      %dma_wait3A_72 = arith.constant 0 : i32
      %dma_wait3A_73 = tpu.memref_slice %arg2[%dma_wait3A_71, %dma_wait3A_72] : memref<10240x128xf32, #tpu.memory_space<hbm>> -> memref<10240x128xf32, #tpu.memory_space<hbm>>
      tpu.wait_indirect_dma semaphore(%arg16 : memref<!tpu.dma_semaphore, #tpu.memory_space<semaphore_mem>>) src(%dma_wait3A_73 : memref<10240x128xf32, #tpu.memory_space<hbm>>) dst(%arg11 : memref<64x128xf32, #tpu.memory_space<vmem>>)
      %run_scoped3A_74 = arith.constant 38 : i32
      "tpu.region"() ({
        %run_scoped3A_83 = tpu.sem_alloc : memref<!tpu.dma_semaphore, #tpu.memory_space<semaphore_mem>>
        %dma_start3A_84 = arith.constant 0 : i32
        %dma_start3A_85 = tpu.memref_slice %arg8[%run_scoped3A_74, %dma_start3A_84] : memref<40x64xi32, #tpu.memory_space<vmem>> -> memref<1x64xi32, #tpu.memory_space<vmem>>
        %dma_start3A_86 = tpu.memref_squeeze %dma_start3A_85 : memref<1x64xi32, #tpu.memory_space<vmem>> -> memref<64xi32, #tpu.memory_space<vmem>>
        %dma_start3A_87 = arith.constant 0 : i32
        %dma_start3A_88 = arith.constant 0 : i32
        %dma_start3A_89 = tpu.memref_slice %arg13[%dma_start3A_87, %dma_start3A_88] : memref<10240x128xf32, #tpu.memory_space<vmem_shared>> -> memref<10240x128xf32, #tpu.memory_space<vmem_shared>>
        tpu.enqueue_indirect_dma source(%arg11 : memref<64x128xf32, #tpu.memory_space<vmem>>) target(%dma_start3A_89 : memref<10240x128xf32, #tpu.memory_space<vmem_shared>>) offsets(%dma_start3A_86 : memref<64xi32, #tpu.memory_space<vmem>>) semaphore(%run_scoped3A_83 : memref<!tpu.dma_semaphore, #tpu.memory_space<semaphore_mem>>) {add = true}
        %dma_wait3A_90 = arith.constant 0 : i32
        %dma_wait3A_91 = tpu.memref_slice %arg8[%run_scoped3A_74, %dma_wait3A_90] : memref<40x64xi32, #tpu.memory_space<vmem>> -> memref<1x64xi32, #tpu.memory_space<vmem>>
        %dma_wait3A_92 = tpu.memref_squeeze %dma_wait3A_91 : memref<1x64xi32, #tpu.memory_space<vmem>> -> memref<64xi32, #tpu.memory_space<vmem>>
        %dma_wait3A_93 = arith.constant 0 : i32
        %dma_wait3A_94 = arith.constant 0 : i32
        %dma_wait3A_95 = tpu.memref_slice %arg13[%dma_wait3A_93, %dma_wait3A_94] : memref<10240x128xf32, #tpu.memory_space<vmem_shared>> -> memref<10240x128xf32, #tpu.memory_space<vmem_shared>>
        tpu.wait_indirect_dma semaphore(%run_scoped3A_83 : memref<!tpu.dma_semaphore, #tpu.memory_space<semaphore_mem>>) src(%arg11 : memref<64x128xf32, #tpu.memory_space<vmem>>) dst(%dma_wait3A_95 : memref<10240x128xf32, #tpu.memory_space<vmem_shared>>)
        tpu.yield
      }) : () -> ()
      %dma_wait3A_75 = arith.constant 39 : i32
      %dma_wait3A_76 = arith.constant 0 : i32
      %dma_wait3A_77 = tpu.memref_slice %arg7[%dma_wait3A_75, %dma_wait3A_76] : memref<40x64xi32, #tpu.memory_space<vmem>> -> memref<1x64xi32, #tpu.memory_space<vmem>>
      %dma_wait3A_78 = tpu.memref_squeeze %dma_wait3A_77 : memref<1x64xi32, #tpu.memory_space<vmem>> -> memref<64xi32, #tpu.memory_space<vmem>>
      %dma_wait3A_79 = arith.constant 0 : i32
      %dma_wait3A_80 = arith.constant 0 : i32
      %dma_wait3A_81 = tpu.memref_slice %arg2[%dma_wait3A_79, %dma_wait3A_80] : memref<10240x128xf32, #tpu.memory_space<hbm>> -> memref<10240x128xf32, #tpu.memory_space<hbm>>
      tpu.wait_indirect_dma semaphore(%arg17 : memref<!tpu.dma_semaphore, #tpu.memory_space<semaphore_mem>>) src(%dma_wait3A_81 : memref<10240x128xf32, #tpu.memory_space<hbm>>) dst(%arg12 : memref<64x128xf32, #tpu.memory_space<vmem>>)
      %run_scoped3A_82 = arith.constant 39 : i32
      "tpu.region"() ({
        %run_scoped3A_83 = tpu.sem_alloc : memref<!tpu.dma_semaphore, #tpu.memory_space<semaphore_mem>>
        %dma_start3A_84 = arith.constant 0 : i32
        %dma_start3A_85 = tpu.memref_slice %arg8[%run_scoped3A_82, %dma_start3A_84] : memref<40x64xi32, #tpu.memory_space<vmem>> -> memref<1x64xi32, #tpu.memory_space<vmem>>
        %dma_start3A_86 = tpu.memref_squeeze %dma_start3A_85 : memref<1x64xi32, #tpu.memory_space<vmem>> -> memref<64xi32, #tpu.memory_space<vmem>>
        %dma_start3A_87 = arith.constant 0 : i32
        %dma_start3A_88 = arith.constant 0 : i32
        %dma_start3A_89 = tpu.memref_slice %arg13[%dma_start3A_87, %dma_start3A_88] : memref<10240x128xf32, #tpu.memory_space<vmem_shared>> -> memref<10240x128xf32, #tpu.memory_space<vmem_shared>>
        tpu.enqueue_indirect_dma source(%arg12 : memref<64x128xf32, #tpu.memory_space<vmem>>) target(%dma_start3A_89 : memref<10240x128xf32, #tpu.memory_space<vmem_shared>>) offsets(%dma_start3A_86 : memref<64xi32, #tpu.memory_space<vmem>>) semaphore(%run_scoped3A_83 : memref<!tpu.dma_semaphore, #tpu.memory_space<semaphore_mem>>) {add = true}
        %dma_wait3A_90 = arith.constant 0 : i32
        %dma_wait3A_91 = tpu.memref_slice %arg8[%run_scoped3A_82, %dma_wait3A_90] : memref<40x64xi32, #tpu.memory_space<vmem>> -> memref<1x64xi32, #tpu.memory_space<vmem>>
        %dma_wait3A_92 = tpu.memref_squeeze %dma_wait3A_91 : memref<1x64xi32, #tpu.memory_space<vmem>> -> memref<64xi32, #tpu.memory_space<vmem>>
        %dma_wait3A_93 = arith.constant 0 : i32
        %dma_wait3A_94 = arith.constant 0 : i32
        %dma_wait3A_95 = tpu.memref_slice %arg13[%dma_wait3A_93, %dma_wait3A_94] : memref<10240x128xf32, #tpu.memory_space<vmem_shared>> -> memref<10240x128xf32, #tpu.memory_space<vmem_shared>>
        tpu.wait_indirect_dma semaphore(%run_scoped3A_83 : memref<!tpu.dma_semaphore, #tpu.memory_space<semaphore_mem>>) src(%arg12 : memref<64x128xf32, #tpu.memory_space<vmem>>) dst(%dma_wait3A_95 : memref<10240x128xf32, #tpu.memory_space<vmem_shared>>)
        tpu.yield
      }) : () -> ()
    }
    %scan3A_6 = arith.constant 4 : i32
    %barrier3A_7 = arith.constant 0 : index
    tpu.barrier barrier_id(%barrier3A_7)
    %mul3A_8 = arith.constant 640 : i32
    %mul3A_9 = arith.muli %arg1, %mul3A_8 : i32
    %mul3A_10 = arith.constant 640 : i32
    %mul3A_11 = arith.muli %arg1, %mul3A_10 : i32
    "tpu.region"() ({
      %run_scoped3A = tpu.sem_alloc : memref<!tpu.dma_semaphore, #tpu.memory_space<semaphore_mem>>
      %dma_start3A = arith.constant 0 : i32
      %dma_start3A_12 = arith.constant 0 : i32
      %dma_start3A_13 = tpu.memref_slice %arg6[%arg0, %dma_start3A, %dma_start3A_12] : memref<2x10240x128xf32, #tpu.memory_space<hbm>> -> memref<1x10240x128xf32, #tpu.memory_space<hbm>>
      %dma_start3A_14 = tpu.memref_squeeze %dma_start3A_13 : memref<1x10240x128xf32, #tpu.memory_space<hbm>> -> memref<10240x128xf32, #tpu.memory_space<hbm>>
      %dma_start3A_15 = arith.constant 0 : i32
      %dma_start3A_16 = tpu.memref_slice %dma_start3A_14[%mul3A_11, %dma_start3A_15] : memref<10240x128xf32, #tpu.memory_space<hbm>> -> memref<640x128xf32, #tpu.memory_space<hbm>>
      %dma_start3A_17 = arith.constant 0 : i32
      %dma_start3A_18 = tpu.memref_slice %arg13[%mul3A_9, %dma_start3A_17] : memref<10240x128xf32, #tpu.memory_space<vmem_shared>> -> memref<640x128xf32, #tpu.memory_space<vmem_shared>>
      tpu.enqueue_dma source(%dma_start3A_18 : memref<640x128xf32, #tpu.memory_space<vmem_shared>>) target(%dma_start3A_16 : memref<640x128xf32, #tpu.memory_space<hbm>>) target_semaphore(%run_scoped3A : memref<!tpu.dma_semaphore, #tpu.memory_space<semaphore_mem>>)
      %dma_wait3A = arith.constant 0 : i32
      %dma_wait3A_19 = arith.constant 0 : i32
      %dma_wait3A_20 = tpu.memref_slice %arg6[%arg0, %dma_wait3A, %dma_wait3A_19] : memref<2x10240x128xf32, #tpu.memory_space<hbm>> -> memref<1x10240x128xf32, #tpu.memory_space<hbm>>
      %dma_wait3A_21 = tpu.memref_squeeze %dma_wait3A_20 : memref<1x10240x128xf32, #tpu.memory_space<hbm>> -> memref<10240x128xf32, #tpu.memory_space<hbm>>
      %dma_wait3A_22 = arith.constant 0 : i32
      %dma_wait3A_23 = tpu.memref_slice %dma_wait3A_21[%mul3A_11, %dma_wait3A_22] : memref<10240x128xf32, #tpu.memory_space<hbm>> -> memref<640x128xf32, #tpu.memory_space<hbm>>
      %dma_wait3A_24 = arith.constant 0 : i32
      %dma_wait3A_25 = tpu.memref_slice %arg13[%mul3A_9, %dma_wait3A_24] : memref<10240x128xf32, #tpu.memory_space<vmem_shared>> -> memref<640x128xf32, #tpu.memory_space<vmem_shared>>
      tpu.wait_dma2 semaphore(%run_scoped3A : memref<!tpu.dma_semaphore, #tpu.memory_space<semaphore_mem>>) src(%dma_wait3A_25 : memref<640x128xf32, #tpu.memory_space<vmem_shared>>) dst(%dma_wait3A_23 : memref<640x128xf32, #tpu.memory_space<hbm>>)
      tpu.yield
    }) : () -> ()
    return
  }
}

#map = affine_map<(d0, d1) -> (0, 0)>
#map1 = affine_map<(d0, d1) -> (0, 0, 0)>
module attributes {stable_mosaic.version = 14 : i64} {
  func.func @agg(%arg0: i32, %arg1: i32, %arg2: memref<10240x128xf32, #tpu.memory_space<hbm>>, %arg3: memref<32x160x64xi32, #tpu.memory_space<hbm>>, %arg4: memref<32x160x64xi32, #tpu.memory_space<hbm>>, %arg5: memref<640x128xf32, #tpu.memory_space<hbm>>, %arg6: memref<2x10240x128xf32, #tpu.memory_space<hbm>>, %arg7: memref<40x64xi32, #tpu.memory_space<vmem>>, %arg8: memref<40x64xi32, #tpu.memory_space<vmem>>, %arg9: memref<64x128xf32, #tpu.memory_space<vmem>>, %arg10: memref<64x128xf32, #tpu.memory_space<vmem>>, %arg11: memref<64x128xf32, #tpu.memory_space<vmem>>, %arg12: memref<64x128xf32, #tpu.memory_space<vmem>>, %arg13: memref<10240x128xf32, #tpu.memory_space<vmem_shared>>, %arg14: memref<!tpu.dma_semaphore, #tpu.memory_space<semaphore_mem>>, %arg15: memref<!tpu.dma_semaphore, #tpu.memory_space<semaphore_mem>>, %arg16: memref<!tpu.dma_semaphore, #tpu.memory_space<semaphore_mem>>, %arg17: memref<!tpu.dma_semaphore, #tpu.memory_space<semaphore_mem>>) attributes {dimension_semantics = [#tpu.dimension_semantics<core_parallel>, #tpu.dimension_semantics<subcore_parallel>], iteration_bounds = array<i64: 2, 16>, scalar_prefetch = 0 : i64, scratch_operands = 11 : i64, tpu.core_type = #tpu.core_type<sc_vector_subcore>, window_params = [{transform_indices = #map}, {transform_indices = #map1}, {transform_indices = #map1}, {transform_indices = #map}, {transform_indices = #map1}]} {
    %mul3A = arith.constant 2 : i32
    %mul3A_0 = arith.muli %arg1, %mul3A : i32
    %add3A = arith.addi %mul3A_0, %arg0 : i32
    %mul3A_1 = arith.constant 640 : i32
    %mul3A_2 = arith.muli %arg1, %mul3A_1 : i32
    "tpu.region"() ({
      %run_scoped3A = tpu.sem_alloc : memref<!tpu.dma_semaphore, #tpu.memory_space<semaphore_mem>>
      %dma_start3A = arith.constant 0 : i32
      %dma_start3A_12 = tpu.memref_slice %arg13[%mul3A_2, %dma_start3A] : memref<10240x128xf32, #tpu.memory_space<vmem_shared>> -> memref<640x128xf32, #tpu.memory_space<vmem_shared>>
      tpu.enqueue_dma source(%arg5 : memref<640x128xf32, #tpu.memory_space<hbm>>) target(%dma_start3A_12 : memref<640x128xf32, #tpu.memory_space<vmem_shared>>) target_semaphore(%run_scoped3A : memref<!tpu.dma_semaphore, #tpu.memory_space<semaphore_mem>>)
      %dma_wait3A = arith.constant 0 : i32
      %dma_wait3A_13 = tpu.memref_slice %arg13[%mul3A_2, %dma_wait3A] : memref<10240x128xf32, #tpu.memory_space<vmem_shared>> -> memref<640x128xf32, #tpu.memory_space<vmem_shared>>
      tpu.wait_dma2 semaphore(%run_scoped3A : memref<!tpu.dma_semaphore, #tpu.memory_space<semaphore_mem>>) src(%arg5 : memref<640x128xf32, #tpu.memory_space<hbm>>) dst(%dma_wait3A_13 : memref<640x128xf32, #tpu.memory_space<vmem_shared>>)
      tpu.yield
    }) : () -> ()
    %barrier3A = arith.constant 0 : index
    tpu.barrier barrier_id(%barrier3A)
    %scan3A = arith.constant 0 : i32
    %scan3A_3 = arith.constant 4 : i32
    %scan3A_4 = arith.addi %scan3A, %scan3A_3 : i32
    %scan3A_5 = arith.constant 1 : i32
    scf.for %scan3A_12 = %scan3A to %scan3A_4 step %scan3A_5  : i32 {
      %mul3A_13 = arith.constant 1 : i32
      %mul3A_14 = arith.muli %scan3A_12, %mul3A_13 : i32
      %add3A_15 = arith.constant 0 : i32
      %add3A_16 = arith.addi %add3A_15, %mul3A_14 : i32
      %mul3A_17 = arith.constant 40 : i32
      %mul3A_18 = arith.muli %add3A_16, %mul3A_17 : i32
      "tpu.region"() ({
        %run_scoped3A_83 = tpu.sem_alloc : memref<!tpu.dma_semaphore, #tpu.memory_space<semaphore_mem>>
        %dma_start3A_84 = arith.constant 0 : i32
        %dma_start3A_85 = arith.constant 0 : i32
        %dma_start3A_86 = tpu.memref_slice %arg3[%add3A, %dma_start3A_84, %dma_start3A_85] : memref<32x160x64xi32, #tpu.memory_space<hbm>> -> memref<1x160x64xi32, #tpu.memory_space<hbm>>
        %dma_start3A_87 = tpu.memref_squeeze %dma_start3A_86 : memref<1x160x64xi32, #tpu.memory_space<hbm>> -> memref<160x64xi32, #tpu.memory_space<hbm>>
        %dma_start3A_88 = arith.constant 0 : i32
        %dma_start3A_89 = tpu.memref_slice %dma_start3A_87[%mul3A_18, %dma_start3A_88] : memref<160x64xi32, #tpu.memory_space<hbm>> -> memref<40x64xi32, #tpu.memory_space<hbm>>
        %dma_start3A_90 = arith.constant 0 : i32
        %dma_start3A_91 = arith.constant 0 : i32
        %dma_start3A_92 = tpu.memref_slice %arg3[%add3A, %dma_start3A_90, %dma_start3A_91] : memref<32x160x64xi32, #tpu.memory_space<hbm>> -> memref<1x160x64xi32, #tpu.memory_space<hbm>>
        %dma_start3A_93 = tpu.memref_squeeze %dma_start3A_92 : memref<1x160x64xi32, #tpu.memory_space<hbm>> -> memref<160x64xi32, #tpu.memory_space<hbm>>
        %dma_start3A_94 = arith.constant 0 : i32
        %dma_start3A_95 = tpu.memref_slice %dma_start3A_93[%mul3A_18, %dma_start3A_94] : memref<160x64xi32, #tpu.memory_space<hbm>> -> memref<40x64xi32, #tpu.memory_space<hbm>>
        tpu.enqueue_dma source(%dma_start3A_95 : memref<40x64xi32, #tpu.memory_space<hbm>>) target(%arg7 : memref<40x64xi32, #tpu.memory_space<vmem>>) target_semaphore(%run_scoped3A_83 : memref<!tpu.dma_semaphore, #tpu.memory_space<semaphore_mem>>)
        %dma_wait3A_96 = arith.constant 0 : i32
        %dma_wait3A_97 = arith.constant 0 : i32
        %dma_wait3A_98 = tpu.memref_slice %arg3[%add3A, %dma_wait3A_96, %dma_wait3A_97] : memref<32x160x64xi32, #tpu.memory_space<hbm>> -> memref<1x160x64xi32, #tpu.memory_space<hbm>>
        %dma_wait3A_99 = tpu.memref_squeeze %dma_wait3A_98 : memref<1x160x64xi32, #tpu.memory_space<hbm>> -> memref<160x64xi32, #tpu.memory_space<hbm>>
        %dma_wait3A_100 = arith.constant 0 : i32
        %dma_wait3A_101 = tpu.memref_slice %dma_wait3A_99[%mul3A_18, %dma_wait3A_100] : memref<160x64xi32, #tpu.memory_space<hbm>> -> memref<40x64xi32, #tpu.memory_space<hbm>>
        %dma_wait3A_102 = arith.constant 0 : i32
        %dma_wait3A_103 = arith.constant 0 : i32
        %dma_wait3A_104 = tpu.memref_slice %arg3[%add3A, %dma_wait3A_102, %dma_wait3A_103] : memref<32x160x64xi32, #tpu.memory_space<hbm>> -> memref<1x160x64xi32, #tpu.memory_space<hbm>>
        %dma_wait3A_105 = tpu.memref_squeeze %dma_wait3A_104 : memref<1x160x64xi32, #tpu.memory_space<hbm>> -> memref<160x64xi32, #tpu.memory_space<hbm>>
        %dma_wait3A_106 = arith.constant 0 : i32
        %dma_wait3A_107 = tpu.memref_slice %dma_wait3A_105[%mul3A_18, %dma_wait3A_106] : memref<160x64xi32, #tpu.memory_space<hbm>> -> memref<40x64xi32, #tpu.memory_space<hbm>>
        tpu.wait_dma2 semaphore(%run_scoped3A_83 : memref<!tpu.dma_semaphore, #tpu.memory_space<semaphore_mem>>) src(%dma_wait3A_107 : memref<40x64xi32, #tpu.memory_space<hbm>>) dst(%arg7 : memref<40x64xi32, #tpu.memory_space<vmem>>)
        tpu.yield
      }) : () -> ()
      %mul3A_19 = arith.constant 40 : i32
      %mul3A_20 = arith.muli %add3A_16, %mul3A_19 : i32
      "tpu.region"() ({
        %run_scoped3A_83 = tpu.sem_alloc : memref<!tpu.dma_semaphore, #tpu.memory_space<semaphore_mem>>
        %dma_start3A_84 = arith.constant 0 : i32
        %dma_start3A_85 = arith.constant 0 : i32
        %dma_start3A_86 = tpu.memref_slice %arg4[%add3A, %dma_start3A_84, %dma_start3A_85] : memref<32x160x64xi32, #tpu.memory_space<hbm>> -> memref<1x160x64xi32, #tpu.memory_space<hbm>>
        %dma_start3A_87 = tpu.memref_squeeze %dma_start3A_86 : memref<1x160x64xi32, #tpu.memory_space<hbm>> -> memref<160x64xi32, #tpu.memory_space<hbm>>
        %dma_start3A_88 = arith.constant 0 : i32
        %dma_start3A_89 = tpu.memref_slice %dma_start3A_87[%mul3A_20, %dma_start3A_88] : memref<160x64xi32, #tpu.memory_space<hbm>> -> memref<40x64xi32, #tpu.memory_space<hbm>>
        %dma_start3A_90 = arith.constant 0 : i32
        %dma_start3A_91 = arith.constant 0 : i32
        %dma_start3A_92 = tpu.memref_slice %arg4[%add3A, %dma_start3A_90, %dma_start3A_91] : memref<32x160x64xi32, #tpu.memory_space<hbm>> -> memref<1x160x64xi32, #tpu.memory_space<hbm>>
        %dma_start3A_93 = tpu.memref_squeeze %dma_start3A_92 : memref<1x160x64xi32, #tpu.memory_space<hbm>> -> memref<160x64xi32, #tpu.memory_space<hbm>>
        %dma_start3A_94 = arith.constant 0 : i32
        %dma_start3A_95 = tpu.memref_slice %dma_start3A_93[%mul3A_20, %dma_start3A_94] : memref<160x64xi32, #tpu.memory_space<hbm>> -> memref<40x64xi32, #tpu.memory_space<hbm>>
        tpu.enqueue_dma source(%dma_start3A_95 : memref<40x64xi32, #tpu.memory_space<hbm>>) target(%arg8 : memref<40x64xi32, #tpu.memory_space<vmem>>) target_semaphore(%run_scoped3A_83 : memref<!tpu.dma_semaphore, #tpu.memory_space<semaphore_mem>>)
        %dma_wait3A_96 = arith.constant 0 : i32
        %dma_wait3A_97 = arith.constant 0 : i32
        %dma_wait3A_98 = tpu.memref_slice %arg4[%add3A, %dma_wait3A_96, %dma_wait3A_97] : memref<32x160x64xi32, #tpu.memory_space<hbm>> -> memref<1x160x64xi32, #tpu.memory_space<hbm>>
        %dma_wait3A_99 = tpu.memref_squeeze %dma_wait3A_98 : memref<1x160x64xi32, #tpu.memory_space<hbm>> -> memref<160x64xi32, #tpu.memory_space<hbm>>
        %dma_wait3A_100 = arith.constant 0 : i32
        %dma_wait3A_101 = tpu.memref_slice %dma_wait3A_99[%mul3A_20, %dma_wait3A_100] : memref<160x64xi32, #tpu.memory_space<hbm>> -> memref<40x64xi32, #tpu.memory_space<hbm>>
        %dma_wait3A_102 = arith.constant 0 : i32
        %dma_wait3A_103 = arith.constant 0 : i32
        %dma_wait3A_104 = tpu.memref_slice %arg4[%add3A, %dma_wait3A_102, %dma_wait3A_103] : memref<32x160x64xi32, #tpu.memory_space<hbm>> -> memref<1x160x64xi32, #tpu.memory_space<hbm>>
        %dma_wait3A_105 = tpu.memref_squeeze %dma_wait3A_104 : memref<1x160x64xi32, #tpu.memory_space<hbm>> -> memref<160x64xi32, #tpu.memory_space<hbm>>
        %dma_wait3A_106 = arith.constant 0 : i32
        %dma_wait3A_107 = tpu.memref_slice %dma_wait3A_105[%mul3A_20, %dma_wait3A_106] : memref<160x64xi32, #tpu.memory_space<hbm>> -> memref<40x64xi32, #tpu.memory_space<hbm>>
        tpu.wait_dma2 semaphore(%run_scoped3A_83 : memref<!tpu.dma_semaphore, #tpu.memory_space<semaphore_mem>>) src(%dma_wait3A_107 : memref<40x64xi32, #tpu.memory_space<hbm>>) dst(%arg8 : memref<40x64xi32, #tpu.memory_space<vmem>>)
        tpu.yield
      }) : () -> ()
      %dma_start3A = arith.constant 0 : i32
      %dma_start3A_21 = arith.constant 0 : i32
      %dma_start3A_22 = tpu.memref_slice %arg7[%dma_start3A, %dma_start3A_21] : memref<40x64xi32, #tpu.memory_space<vmem>> -> memref<1x64xi32, #tpu.memory_space<vmem>>
      %dma_start3A_23 = tpu.memref_squeeze %dma_start3A_22 : memref<1x64xi32, #tpu.memory_space<vmem>> -> memref<64xi32, #tpu.memory_space<vmem>>
      %dma_start3A_24 = arith.constant 0 : i32
      %dma_start3A_25 = arith.constant 0 : i32
      %dma_start3A_26 = tpu.memref_slice %arg2[%dma_start3A_24, %dma_start3A_25] : memref<10240x128xf32, #tpu.memory_space<hbm>> -> memref<10240x128xf32, #tpu.memory_space<hbm>>
      tpu.enqueue_indirect_dma source(%dma_start3A_26 : memref<10240x128xf32, #tpu.memory_space<hbm>>) target(%arg9 : memref<64x128xf32, #tpu.memory_space<vmem>>) offsets(%dma_start3A_23 : memref<64xi32, #tpu.memory_space<vmem>>) semaphore(%arg14 : memref<!tpu.dma_semaphore, #tpu.memory_space<semaphore_mem>>)
      %dma_start3A_27 = arith.constant 1 : i32
      %dma_start3A_28 = arith.constant 0 : i32
      %dma_start3A_29 = tpu.memref_slice %arg7[%dma_start3A_27, %dma_start3A_28] : memref<40x64xi32, #tpu.memory_space<vmem>> -> memref<1x64xi32, #tpu.memory_space<vmem>>
      %dma_start3A_30 = tpu.memref_squeeze %dma_start3A_29 : memref<1x64xi32, #tpu.memory_space<vmem>> -> memref<64xi32, #tpu.memory_space<vmem>>
      %dma_start3A_31 = arith.constant 0 : i32
      %dma_start3A_32 = arith.constant 0 : i32
      %dma_start3A_33 = tpu.memref_slice %arg2[%dma_start3A_31, %dma_start3A_32] : memref<10240x128xf32, #tpu.memory_space<hbm>> -> memref<10240x128xf32, #tpu.memory_space<hbm>>
      tpu.enqueue_indirect_dma source(%dma_start3A_33 : memref<10240x128xf32, #tpu.memory_space<hbm>>) target(%arg10 : memref<64x128xf32, #tpu.memory_space<vmem>>) offsets(%dma_start3A_30 : memref<64xi32, #tpu.memory_space<vmem>>) semaphore(%arg15 : memref<!tpu.dma_semaphore, #tpu.memory_space<semaphore_mem>>)
      %dma_start3A_34 = arith.constant 2 : i32
      %dma_start3A_35 = arith.constant 0 : i32
      %dma_start3A_36 = tpu.memref_slice %arg7[%dma_start3A_34, %dma_start3A_35] : memref<40x64xi32, #tpu.memory_space<vmem>> -> memref<1x64xi32, #tpu.memory_space<vmem>>
      %dma_start3A_37 = tpu.memref_squeeze %dma_start3A_36 : memref<1x64xi32, #tpu.memory_space<vmem>> -> memref<64xi32, #tpu.memory_space<vmem>>
      %dma_start3A_38 = arith.constant 0 : i32
      %dma_start3A_39 = arith.constant 0 : i32
      %dma_start3A_40 = tpu.memref_slice %arg2[%dma_start3A_38, %dma_start3A_39] : memref<10240x128xf32, #tpu.memory_space<hbm>> -> memref<10240x128xf32, #tpu.memory_space<hbm>>
      tpu.enqueue_indirect_dma source(%dma_start3A_40 : memref<10240x128xf32, #tpu.memory_space<hbm>>) target(%arg11 : memref<64x128xf32, #tpu.memory_space<vmem>>) offsets(%dma_start3A_37 : memref<64xi32, #tpu.memory_space<vmem>>) semaphore(%arg16 : memref<!tpu.dma_semaphore, #tpu.memory_space<semaphore_mem>>)
      %dma_start3A_41 = arith.constant 3 : i32
      %dma_start3A_42 = arith.constant 0 : i32
      %dma_start3A_43 = tpu.memref_slice %arg7[%dma_start3A_41, %dma_start3A_42] : memref<40x64xi32, #tpu.memory_space<vmem>> -> memref<1x64xi32, #tpu.memory_space<vmem>>
      %dma_start3A_44 = tpu.memref_squeeze %dma_start3A_43 : memref<1x64xi32, #tpu.memory_space<vmem>> -> memref<64xi32, #tpu.memory_space<vmem>>
      %dma_start3A_45 = arith.constant 0 : i32
      %dma_start3A_46 = arith.constant 0 : i32
      %dma_start3A_47 = tpu.memref_slice %arg2[%dma_start3A_45, %dma_start3A_46] : memref<10240x128xf32, #tpu.memory_space<hbm>> -> memref<10240x128xf32, #tpu.memory_space<hbm>>
      tpu.enqueue_indirect_dma source(%dma_start3A_47 : memref<10240x128xf32, #tpu.memory_space<hbm>>) target(%arg12 : memref<64x128xf32, #tpu.memory_space<vmem>>) offsets(%dma_start3A_44 : memref<64xi32, #tpu.memory_space<vmem>>) semaphore(%arg17 : memref<!tpu.dma_semaphore, #tpu.memory_space<semaphore_mem>>)
      %scan3A_48 = arith.constant 0 : i32
      %scan3A_49 = arith.constant 9 : i32
      %scan3A_50 = arith.addi %scan3A_48, %scan3A_49 : i32
      %scan3A_51 = arith.constant 1 : i32
      scf.for %scan3A_83 = %scan3A_48 to %scan3A_50 step %scan3A_51  : i32 {
        %mul3A_84 = arith.constant 1 : i32
        %mul3A_85 = arith.muli %scan3A_83, %mul3A_84 : i32
        %add3A_86 = arith.constant 0 : i32
        %add3A_87 = arith.addi %add3A_86, %mul3A_85 : i32
        %mul3A_88 = arith.constant 4 : i32
        %mul3A_89 = arith.muli %add3A_87, %mul3A_88 : i32
        %add3A_90 = arith.constant 0 : i32
        %add3A_91 = arith.addi %mul3A_89, %add3A_90 : i32
        %dma_wait3A_92 = arith.constant 0 : i32
        %dma_wait3A_93 = tpu.memref_slice %arg7[%add3A_91, %dma_wait3A_92] : memref<40x64xi32, #tpu.memory_space<vmem>> -> memref<1x64xi32, #tpu.memory_space<vmem>>
        %dma_wait3A_94 = tpu.memref_squeeze %dma_wait3A_93 : memref<1x64xi32, #tpu.memory_space<vmem>> -> memref<64xi32, #tpu.memory_space<vmem>>
        %dma_wait3A_95 = arith.constant 0 : i32
        %dma_wait3A_96 = arith.constant 0 : i32
        %dma_wait3A_97 = tpu.memref_slice %arg2[%dma_wait3A_95, %dma_wait3A_96] : memref<10240x128xf32, #tpu.memory_space<hbm>> -> memref<10240x128xf32, #tpu.memory_space<hbm>>
        tpu.wait_indirect_dma semaphore(%arg14 : memref<!tpu.dma_semaphore, #tpu.memory_space<semaphore_mem>>) src(%dma_wait3A_97 : memref<10240x128xf32, #tpu.memory_space<hbm>>) dst(%arg9 : memref<64x128xf32, #tpu.memory_space<vmem>>)
        %add3A_98 = arith.constant 0 : i32
        %add3A_99 = arith.addi %mul3A_89, %add3A_98 : i32
        "tpu.region"() ({
          %run_scoped3A_170 = tpu.sem_alloc : memref<!tpu.dma_semaphore, #tpu.memory_space<semaphore_mem>>
          %dma_start3A_171 = arith.constant 0 : i32
          %dma_start3A_172 = tpu.memref_slice %arg8[%add3A_99, %dma_start3A_171] : memref<40x64xi32, #tpu.memory_space<vmem>> -> memref<1x64xi32, #tpu.memory_space<vmem>>
          %dma_start3A_173 = tpu.memref_squeeze %dma_start3A_172 : memref<1x64xi32, #tpu.memory_space<vmem>> -> memref<64xi32, #tpu.memory_space<vmem>>
          %dma_start3A_174 = arith.constant 0 : i32
          %dma_start3A_175 = arith.constant 0 : i32
          %dma_start3A_176 = tpu.memref_slice %arg13[%dma_start3A_174, %dma_start3A_175] : memref<10240x128xf32, #tpu.memory_space<vmem_shared>> -> memref<10240x128xf32, #tpu.memory_space<vmem_shared>>
          tpu.enqueue_indirect_dma source(%arg9 : memref<64x128xf32, #tpu.memory_space<vmem>>) target(%dma_start3A_176 : memref<10240x128xf32, #tpu.memory_space<vmem_shared>>) offsets(%dma_start3A_173 : memref<64xi32, #tpu.memory_space<vmem>>) semaphore(%run_scoped3A_170 : memref<!tpu.dma_semaphore, #tpu.memory_space<semaphore_mem>>) {add = true}
          %dma_wait3A_177 = arith.constant 0 : i32
          %dma_wait3A_178 = tpu.memref_slice %arg8[%add3A_99, %dma_wait3A_177] : memref<40x64xi32, #tpu.memory_space<vmem>> -> memref<1x64xi32, #tpu.memory_space<vmem>>
          %dma_wait3A_179 = tpu.memref_squeeze %dma_wait3A_178 : memref<1x64xi32, #tpu.memory_space<vmem>> -> memref<64xi32, #tpu.memory_space<vmem>>
          %dma_wait3A_180 = arith.constant 0 : i32
          %dma_wait3A_181 = arith.constant 0 : i32
          %dma_wait3A_182 = tpu.memref_slice %arg13[%dma_wait3A_180, %dma_wait3A_181] : memref<10240x128xf32, #tpu.memory_space<vmem_shared>> -> memref<10240x128xf32, #tpu.memory_space<vmem_shared>>
          tpu.wait_indirect_dma semaphore(%run_scoped3A_170 : memref<!tpu.dma_semaphore, #tpu.memory_space<semaphore_mem>>) src(%arg9 : memref<64x128xf32, #tpu.memory_space<vmem>>) dst(%dma_wait3A_182 : memref<10240x128xf32, #tpu.memory_space<vmem_shared>>)
          tpu.yield
        }) : () -> ()
        %add3A_100 = arith.constant 4 : i32
        %add3A_101 = arith.addi %mul3A_89, %add3A_100 : i32
        %add3A_102 = arith.constant 0 : i32
        %add3A_103 = arith.addi %add3A_101, %add3A_102 : i32
        %dma_start3A_104 = arith.constant 0 : i32
        %dma_start3A_105 = tpu.memref_slice %arg7[%add3A_103, %dma_start3A_104] : memref<40x64xi32, #tpu.memory_space<vmem>> -> memref<1x64xi32, #tpu.memory_space<vmem>>
        %dma_start3A_106 = tpu.memref_squeeze %dma_start3A_105 : memref<1x64xi32, #tpu.memory_space<vmem>> -> memref<64xi32, #tpu.memory_space<vmem>>
        %dma_start3A_107 = arith.constant 0 : i32
        %dma_start3A_108 = arith.constant 0 : i32
        %dma_start3A_109 = tpu.memref_slice %arg2[%dma_start3A_107, %dma_start3A_108] : memref<10240x128xf32, #tpu.memory_space<hbm>> -> memref<10240x128xf32, #tpu.memory_space<hbm>>
        tpu.enqueue_indirect_dma source(%dma_start3A_109 : memref<10240x128xf32, #tpu.memory_space<hbm>>) target(%arg9 : memref<64x128xf32, #tpu.memory_space<vmem>>) offsets(%dma_start3A_106 : memref<64xi32, #tpu.memory_space<vmem>>) semaphore(%arg14 : memref<!tpu.dma_semaphore, #tpu.memory_space<semaphore_mem>>)
        %add3A_110 = arith.constant 1 : i32
        %add3A_111 = arith.addi %mul3A_89, %add3A_110 : i32
        %dma_wait3A_112 = arith.constant 0 : i32
        %dma_wait3A_113 = tpu.memref_slice %arg7[%add3A_111, %dma_wait3A_112] : memref<40x64xi32, #tpu.memory_space<vmem>> -> memref<1x64xi32, #tpu.memory_space<vmem>>
        %dma_wait3A_114 = tpu.memref_squeeze %dma_wait3A_113 : memref<1x64xi32, #tpu.memory_space<vmem>> -> memref<64xi32, #tpu.memory_space<vmem>>
        %dma_wait3A_115 = arith.constant 0 : i32
        %dma_wait3A_116 = arith.constant 0 : i32
        %dma_wait3A_117 = tpu.memref_slice %arg2[%dma_wait3A_115, %dma_wait3A_116] : memref<10240x128xf32, #tpu.memory_space<hbm>> -> memref<10240x128xf32, #tpu.memory_space<hbm>>
        tpu.wait_indirect_dma semaphore(%arg15 : memref<!tpu.dma_semaphore, #tpu.memory_space<semaphore_mem>>) src(%dma_wait3A_117 : memref<10240x128xf32, #tpu.memory_space<hbm>>) dst(%arg10 : memref<64x128xf32, #tpu.memory_space<vmem>>)
        %add3A_118 = arith.constant 1 : i32
        %add3A_119 = arith.addi %mul3A_89, %add3A_118 : i32
        "tpu.region"() ({
          %run_scoped3A_170 = tpu.sem_alloc : memref<!tpu.dma_semaphore, #tpu.memory_space<semaphore_mem>>
          %dma_start3A_171 = arith.constant 0 : i32
          %dma_start3A_172 = tpu.memref_slice %arg8[%add3A_119, %dma_start3A_171] : memref<40x64xi32, #tpu.memory_space<vmem>> -> memref<1x64xi32, #tpu.memory_space<vmem>>
          %dma_start3A_173 = tpu.memref_squeeze %dma_start3A_172 : memref<1x64xi32, #tpu.memory_space<vmem>> -> memref<64xi32, #tpu.memory_space<vmem>>
          %dma_start3A_174 = arith.constant 0 : i32
          %dma_start3A_175 = arith.constant 0 : i32
          %dma_start3A_176 = tpu.memref_slice %arg13[%dma_start3A_174, %dma_start3A_175] : memref<10240x128xf32, #tpu.memory_space<vmem_shared>> -> memref<10240x128xf32, #tpu.memory_space<vmem_shared>>
          tpu.enqueue_indirect_dma source(%arg10 : memref<64x128xf32, #tpu.memory_space<vmem>>) target(%dma_start3A_176 : memref<10240x128xf32, #tpu.memory_space<vmem_shared>>) offsets(%dma_start3A_173 : memref<64xi32, #tpu.memory_space<vmem>>) semaphore(%run_scoped3A_170 : memref<!tpu.dma_semaphore, #tpu.memory_space<semaphore_mem>>) {add = true}
          %dma_wait3A_177 = arith.constant 0 : i32
          %dma_wait3A_178 = tpu.memref_slice %arg8[%add3A_119, %dma_wait3A_177] : memref<40x64xi32, #tpu.memory_space<vmem>> -> memref<1x64xi32, #tpu.memory_space<vmem>>
          %dma_wait3A_179 = tpu.memref_squeeze %dma_wait3A_178 : memref<1x64xi32, #tpu.memory_space<vmem>> -> memref<64xi32, #tpu.memory_space<vmem>>
          %dma_wait3A_180 = arith.constant 0 : i32
          %dma_wait3A_181 = arith.constant 0 : i32
          %dma_wait3A_182 = tpu.memref_slice %arg13[%dma_wait3A_180, %dma_wait3A_181] : memref<10240x128xf32, #tpu.memory_space<vmem_shared>> -> memref<10240x128xf32, #tpu.memory_space<vmem_shared>>
          tpu.wait_indirect_dma semaphore(%run_scoped3A_170 : memref<!tpu.dma_semaphore, #tpu.memory_space<semaphore_mem>>) src(%arg10 : memref<64x128xf32, #tpu.memory_space<vmem>>) dst(%dma_wait3A_182 : memref<10240x128xf32, #tpu.memory_space<vmem_shared>>)
          tpu.yield
        }) : () -> ()
        %add3A_120 = arith.constant 4 : i32
        %add3A_121 = arith.addi %mul3A_89, %add3A_120 : i32
        %add3A_122 = arith.constant 1 : i32
        %add3A_123 = arith.addi %add3A_121, %add3A_122 : i32
        %dma_start3A_124 = arith.constant 0 : i32
        %dma_start3A_125 = tpu.memref_slice %arg7[%add3A_123, %dma_start3A_124] : memref<40x64xi32, #tpu.memory_space<vmem>> -> memref<1x64xi32, #tpu.memory_space<vmem>>
        %dma_start3A_126 = tpu.memref_squeeze %dma_start3A_125 : memref<1x64xi32, #tpu.memory_space<vmem>> -> memref<64xi32, #tpu.memory_space<vmem>>
        %dma_start3A_127 = arith.constant 0 : i32
        %dma_start3A_128 = arith.constant 0 : i32
        %dma_start3A_129 = tpu.memref_slice %arg2[%dma_start3A_127, %dma_start3A_128] : memref<10240x128xf32, #tpu.memory_space<hbm>> -> memref<10240x128xf32, #tpu.memory_space<hbm>>
        tpu.enqueue_indirect_dma source(%dma_start3A_129 : memref<10240x128xf32, #tpu.memory_space<hbm>>) target(%arg10 : memref<64x128xf32, #tpu.memory_space<vmem>>) offsets(%dma_start3A_126 : memref<64xi32, #tpu.memory_space<vmem>>) semaphore(%arg15 : memref<!tpu.dma_semaphore, #tpu.memory_space<semaphore_mem>>)
        %add3A_130 = arith.constant 2 : i32
        %add3A_131 = arith.addi %mul3A_89, %add3A_130 : i32
        %dma_wait3A_132 = arith.constant 0 : i32
        %dma_wait3A_133 = tpu.memref_slice %arg7[%add3A_131, %dma_wait3A_132] : memref<40x64xi32, #tpu.memory_space<vmem>> -> memref<1x64xi32, #tpu.memory_space<vmem>>
        %dma_wait3A_134 = tpu.memref_squeeze %dma_wait3A_133 : memref<1x64xi32, #tpu.memory_space<vmem>> -> memref<64xi32, #tpu.memory_space<vmem>>
        %dma_wait3A_135 = arith.constant 0 : i32
        %dma_wait3A_136 = arith.constant 0 : i32
        %dma_wait3A_137 = tpu.memref_slice %arg2[%dma_wait3A_135, %dma_wait3A_136] : memref<10240x128xf32, #tpu.memory_space<hbm>> -> memref<10240x128xf32, #tpu.memory_space<hbm>>
        tpu.wait_indirect_dma semaphore(%arg16 : memref<!tpu.dma_semaphore, #tpu.memory_space<semaphore_mem>>) src(%dma_wait3A_137 : memref<10240x128xf32, #tpu.memory_space<hbm>>) dst(%arg11 : memref<64x128xf32, #tpu.memory_space<vmem>>)
        %add3A_138 = arith.constant 2 : i32
        %add3A_139 = arith.addi %mul3A_89, %add3A_138 : i32
        "tpu.region"() ({
          %run_scoped3A_170 = tpu.sem_alloc : memref<!tpu.dma_semaphore, #tpu.memory_space<semaphore_mem>>
          %dma_start3A_171 = arith.constant 0 : i32
          %dma_start3A_172 = tpu.memref_slice %arg8[%add3A_139, %dma_start3A_171] : memref<40x64xi32, #tpu.memory_space<vmem>> -> memref<1x64xi32, #tpu.memory_space<vmem>>
          %dma_start3A_173 = tpu.memref_squeeze %dma_start3A_172 : memref<1x64xi32, #tpu.memory_space<vmem>> -> memref<64xi32, #tpu.memory_space<vmem>>
          %dma_start3A_174 = arith.constant 0 : i32
          %dma_start3A_175 = arith.constant 0 : i32
          %dma_start3A_176 = tpu.memref_slice %arg13[%dma_start3A_174, %dma_start3A_175] : memref<10240x128xf32, #tpu.memory_space<vmem_shared>> -> memref<10240x128xf32, #tpu.memory_space<vmem_shared>>
          tpu.enqueue_indirect_dma source(%arg11 : memref<64x128xf32, #tpu.memory_space<vmem>>) target(%dma_start3A_176 : memref<10240x128xf32, #tpu.memory_space<vmem_shared>>) offsets(%dma_start3A_173 : memref<64xi32, #tpu.memory_space<vmem>>) semaphore(%run_scoped3A_170 : memref<!tpu.dma_semaphore, #tpu.memory_space<semaphore_mem>>) {add = true}
          %dma_wait3A_177 = arith.constant 0 : i32
          %dma_wait3A_178 = tpu.memref_slice %arg8[%add3A_139, %dma_wait3A_177] : memref<40x64xi32, #tpu.memory_space<vmem>> -> memref<1x64xi32, #tpu.memory_space<vmem>>
          %dma_wait3A_179 = tpu.memref_squeeze %dma_wait3A_178 : memref<1x64xi32, #tpu.memory_space<vmem>> -> memref<64xi32, #tpu.memory_space<vmem>>
          %dma_wait3A_180 = arith.constant 0 : i32
          %dma_wait3A_181 = arith.constant 0 : i32
          %dma_wait3A_182 = tpu.memref_slice %arg13[%dma_wait3A_180, %dma_wait3A_181] : memref<10240x128xf32, #tpu.memory_space<vmem_shared>> -> memref<10240x128xf32, #tpu.memory_space<vmem_shared>>
          tpu.wait_indirect_dma semaphore(%run_scoped3A_170 : memref<!tpu.dma_semaphore, #tpu.memory_space<semaphore_mem>>) src(%arg11 : memref<64x128xf32, #tpu.memory_space<vmem>>) dst(%dma_wait3A_182 : memref<10240x128xf32, #tpu.memory_space<vmem_shared>>)
          tpu.yield
        }) : () -> ()
        %add3A_140 = arith.constant 4 : i32
        %add3A_141 = arith.addi %mul3A_89, %add3A_140 : i32
        %add3A_142 = arith.constant 2 : i32
        %add3A_143 = arith.addi %add3A_141, %add3A_142 : i32
        %dma_start3A_144 = arith.constant 0 : i32
        %dma_start3A_145 = tpu.memref_slice %arg7[%add3A_143, %dma_start3A_144] : memref<40x64xi32, #tpu.memory_space<vmem>> -> memref<1x64xi32, #tpu.memory_space<vmem>>
        %dma_start3A_146 = tpu.memref_squeeze %dma_start3A_145 : memref<1x64xi32, #tpu.memory_space<vmem>> -> memref<64xi32, #tpu.memory_space<vmem>>
        %dma_start3A_147 = arith.constant 0 : i32
        %dma_start3A_148 = arith.constant 0 : i32
        %dma_start3A_149 = tpu.memref_slice %arg2[%dma_start3A_147, %dma_start3A_148] : memref<10240x128xf32, #tpu.memory_space<hbm>> -> memref<10240x128xf32, #tpu.memory_space<hbm>>
        tpu.enqueue_indirect_dma source(%dma_start3A_149 : memref<10240x128xf32, #tpu.memory_space<hbm>>) target(%arg11 : memref<64x128xf32, #tpu.memory_space<vmem>>) offsets(%dma_start3A_146 : memref<64xi32, #tpu.memory_space<vmem>>) semaphore(%arg16 : memref<!tpu.dma_semaphore, #tpu.memory_space<semaphore_mem>>)
        %add3A_150 = arith.constant 3 : i32
        %add3A_151 = arith.addi %mul3A_89, %add3A_150 : i32
        %dma_wait3A_152 = arith.constant 0 : i32
        %dma_wait3A_153 = tpu.memref_slice %arg7[%add3A_151, %dma_wait3A_152] : memref<40x64xi32, #tpu.memory_space<vmem>> -> memref<1x64xi32, #tpu.memory_space<vmem>>
        %dma_wait3A_154 = tpu.memref_squeeze %dma_wait3A_153 : memref<1x64xi32, #tpu.memory_space<vmem>> -> memref<64xi32, #tpu.memory_space<vmem>>
        %dma_wait3A_155 = arith.constant 0 : i32
        %dma_wait3A_156 = arith.constant 0 : i32
        %dma_wait3A_157 = tpu.memref_slice %arg2[%dma_wait3A_155, %dma_wait3A_156] : memref<10240x128xf32, #tpu.memory_space<hbm>> -> memref<10240x128xf32, #tpu.memory_space<hbm>>
        tpu.wait_indirect_dma semaphore(%arg17 : memref<!tpu.dma_semaphore, #tpu.memory_space<semaphore_mem>>) src(%dma_wait3A_157 : memref<10240x128xf32, #tpu.memory_space<hbm>>) dst(%arg12 : memref<64x128xf32, #tpu.memory_space<vmem>>)
        %add3A_158 = arith.constant 3 : i32
        %add3A_159 = arith.addi %mul3A_89, %add3A_158 : i32
        "tpu.region"() ({
          %run_scoped3A_170 = tpu.sem_alloc : memref<!tpu.dma_semaphore, #tpu.memory_space<semaphore_mem>>
          %dma_start3A_171 = arith.constant 0 : i32
          %dma_start3A_172 = tpu.memref_slice %arg8[%add3A_159, %dma_start3A_171] : memref<40x64xi32, #tpu.memory_space<vmem>> -> memref<1x64xi32, #tpu.memory_space<vmem>>
          %dma_start3A_173 = tpu.memref_squeeze %dma_start3A_172 : memref<1x64xi32, #tpu.memory_space<vmem>> -> memref<64xi32, #tpu.memory_space<vmem>>
          %dma_start3A_174 = arith.constant 0 : i32
          %dma_start3A_175 = arith.constant 0 : i32
          %dma_start3A_176 = tpu.memref_slice %arg13[%dma_start3A_174, %dma_start3A_175] : memref<10240x128xf32, #tpu.memory_space<vmem_shared>> -> memref<10240x128xf32, #tpu.memory_space<vmem_shared>>
          tpu.enqueue_indirect_dma source(%arg12 : memref<64x128xf32, #tpu.memory_space<vmem>>) target(%dma_start3A_176 : memref<10240x128xf32, #tpu.memory_space<vmem_shared>>) offsets(%dma_start3A_173 : memref<64xi32, #tpu.memory_space<vmem>>) semaphore(%run_scoped3A_170 : memref<!tpu.dma_semaphore, #tpu.memory_space<semaphore_mem>>) {add = true}
          %dma_wait3A_177 = arith.constant 0 : i32
          %dma_wait3A_178 = tpu.memref_slice %arg8[%add3A_159, %dma_wait3A_177] : memref<40x64xi32, #tpu.memory_space<vmem>> -> memref<1x64xi32, #tpu.memory_space<vmem>>
          %dma_wait3A_179 = tpu.memref_squeeze %dma_wait3A_178 : memref<1x64xi32, #tpu.memory_space<vmem>> -> memref<64xi32, #tpu.memory_space<vmem>>
          %dma_wait3A_180 = arith.constant 0 : i32
          %dma_wait3A_181 = arith.constant 0 : i32
          %dma_wait3A_182 = tpu.memref_slice %arg13[%dma_wait3A_180, %dma_wait3A_181] : memref<10240x128xf32, #tpu.memory_space<vmem_shared>> -> memref<10240x128xf32, #tpu.memory_space<vmem_shared>>
          tpu.wait_indirect_dma semaphore(%run_scoped3A_170 : memref<!tpu.dma_semaphore, #tpu.memory_space<semaphore_mem>>) src(%arg12 : memref<64x128xf32, #tpu.memory_space<vmem>>) dst(%dma_wait3A_182 : memref<10240x128xf32, #tpu.memory_space<vmem_shared>>)
          tpu.yield
        }) : () -> ()
        %add3A_160 = arith.constant 4 : i32
        %add3A_161 = arith.addi %mul3A_89, %add3A_160 : i32
        %add3A_162 = arith.constant 3 : i32
        %add3A_163 = arith.addi %add3A_161, %add3A_162 : i32
        %dma_start3A_164 = arith.constant 0 : i32
        %dma_start3A_165 = tpu.memref_slice %arg7[%add3A_163, %dma_start3A_164] : memref<40x64xi32, #tpu.memory_space<vmem>> -> memref<1x64xi32, #tpu.memory_space<vmem>>
        %dma_start3A_166 = tpu.memref_squeeze %dma_start3A_165 : memref<1x64xi32, #tpu.memory_space<vmem>> -> memref<64xi32, #tpu.memory_space<vmem>>
        %dma_start3A_167 = arith.constant 0 : i32
        %dma_start3A_168 = arith.constant 0 : i32
        %dma_start3A_169 = tpu.memref_slice %arg2[%dma_start3A_167, %dma_start3A_168] : memref<10240x128xf32, #tpu.memory_space<hbm>> -> memref<10240x128xf32, #tpu.memory_space<hbm>>
        tpu.enqueue_indirect_dma source(%dma_start3A_169 : memref<10240x128xf32, #tpu.memory_space<hbm>>) target(%arg12 : memref<64x128xf32, #tpu.memory_space<vmem>>) offsets(%dma_start3A_166 : memref<64xi32, #tpu.memory_space<vmem>>) semaphore(%arg17 : memref<!tpu.dma_semaphore, #tpu.memory_space<semaphore_mem>>)
      }
      %scan3A_52 = arith.constant 9 : i32
      %dma_wait3A = arith.constant 36 : i32
      %dma_wait3A_53 = arith.constant 0 : i32
      %dma_wait3A_54 = tpu.memref_slice %arg7[%dma_wait3A, %dma_wait3A_53] : memref<40x64xi32, #tpu.memory_space<vmem>> -> memref<1x64xi32, #tpu.memory_space<vmem>>
      %dma_wait3A_55 = tpu.memref_squeeze %dma_wait3A_54 : memref<1x64xi32, #tpu.memory_space<vmem>> -> memref<64xi32, #tpu.memory_space<vmem>>
      %dma_wait3A_56 = arith.constant 0 : i32
      %dma_wait3A_57 = arith.constant 0 : i32
      %dma_wait3A_58 = tpu.memref_slice %arg2[%dma_wait3A_56, %dma_wait3A_57] : memref<10240x128xf32, #tpu.memory_space<hbm>> -> memref<10240x128xf32, #tpu.memory_space<hbm>>
      tpu.wait_indirect_dma semaphore(%arg14 : memref<!tpu.dma_semaphore, #tpu.memory_space<semaphore_mem>>) src(%dma_wait3A_58 : memref<10240x128xf32, #tpu.memory_space<hbm>>) dst(%arg9 : memref<64x128xf32, #tpu.memory_space<vmem>>)
      %run_scoped3A = arith.constant 36 : i32
      "tpu.region"() ({
        %run_scoped3A_83 = tpu.sem_alloc : memref<!tpu.dma_semaphore, #tpu.memory_space<semaphore_mem>>
        %dma_start3A_84 = arith.constant 0 : i32
        %dma_start3A_85 = tpu.memref_slice %arg8[%run_scoped3A, %dma_start3A_84] : memref<40x64xi32, #tpu.memory_space<vmem>> -> memref<1x64xi32, #tpu.memory_space<vmem>>
        %dma_start3A_86 = tpu.memref_squeeze %dma_start3A_85 : memref<1x64xi32, #tpu.memory_space<vmem>> -> memref<64xi32, #tpu.memory_space<vmem>>
        %dma_start3A_87 = arith.constant 0 : i32
        %dma_start3A_88 = arith.constant 0 : i32
        %dma_start3A_89 = tpu.memref_slice %arg13[%dma_start3A_87, %dma_start3A_88] : memref<10240x128xf32, #tpu.memory_space<vmem_shared>> -> memref<10240x128xf32, #tpu.memory_space<vmem_shared>>
        tpu.enqueue_indirect_dma source(%arg9 : memref<64x128xf32, #tpu.memory_space<vmem>>) target(%dma_start3A_89 : memref<10240x128xf32, #tpu.memory_space<vmem_shared>>) offsets(%dma_start3A_86 : memref<64xi32, #tpu.memory_space<vmem>>) semaphore(%run_scoped3A_83 : memref<!tpu.dma_semaphore, #tpu.memory_space<semaphore_mem>>) {add = true}
        %dma_wait3A_90 = arith.constant 0 : i32
        %dma_wait3A_91 = tpu.memref_slice %arg8[%run_scoped3A, %dma_wait3A_90] : memref<40x64xi32, #tpu.memory_space<vmem>> -> memref<1x64xi32, #tpu.memory_space<vmem>>
        %dma_wait3A_92 = tpu.memref_squeeze %dma_wait3A_91 : memref<1x64xi32, #tpu.memory_space<vmem>> -> memref<64xi32, #tpu.memory_space<vmem>>
        %dma_wait3A_93 = arith.constant 0 : i32
        %dma_wait3A_94 = arith.constant 0 : i32
        %dma_wait3A_95 = tpu.memref_slice %arg13[%dma_wait3A_93, %dma_wait3A_94] : memref<10240x128xf32, #tpu.memory_space<vmem_shared>> -> memref<10240x128xf32, #tpu.memory_space<vmem_shared>>
        tpu.wait_indirect_dma semaphore(%run_scoped3A_83 : memref<!tpu.dma_semaphore, #tpu.memory_space<semaphore_mem>>) src(%arg9 : memref<64x128xf32, #tpu.memory_space<vmem>>) dst(%dma_wait3A_95 : memref<10240x128xf32, #tpu.memory_space<vmem_shared>>)
        tpu.yield
      }) : () -> ()
      %dma_wait3A_59 = arith.constant 37 : i32
      %dma_wait3A_60 = arith.constant 0 : i32
      %dma_wait3A_61 = tpu.memref_slice %arg7[%dma_wait3A_59, %dma_wait3A_60] : memref<40x64xi32, #tpu.memory_space<vmem>> -> memref<1x64xi32, #tpu.memory_space<vmem>>
      %dma_wait3A_62 = tpu.memref_squeeze %dma_wait3A_61 : memref<1x64xi32, #tpu.memory_space<vmem>> -> memref<64xi32, #tpu.memory_space<vmem>>
      %dma_wait3A_63 = arith.constant 0 : i32
      %dma_wait3A_64 = arith.constant 0 : i32
      %dma_wait3A_65 = tpu.memref_slice %arg2[%dma_wait3A_63, %dma_wait3A_64] : memref<10240x128xf32, #tpu.memory_space<hbm>> -> memref<10240x128xf32, #tpu.memory_space<hbm>>
      tpu.wait_indirect_dma semaphore(%arg15 : memref<!tpu.dma_semaphore, #tpu.memory_space<semaphore_mem>>) src(%dma_wait3A_65 : memref<10240x128xf32, #tpu.memory_space<hbm>>) dst(%arg10 : memref<64x128xf32, #tpu.memory_space<vmem>>)
      %run_scoped3A_66 = arith.constant 37 : i32
      "tpu.region"() ({
        %run_scoped3A_83 = tpu.sem_alloc : memref<!tpu.dma_semaphore, #tpu.memory_space<semaphore_mem>>
        %dma_start3A_84 = arith.constant 0 : i32
        %dma_start3A_85 = tpu.memref_slice %arg8[%run_scoped3A_66, %dma_start3A_84] : memref<40x64xi32, #tpu.memory_space<vmem>> -> memref<1x64xi32, #tpu.memory_space<vmem>>
        %dma_start3A_86 = tpu.memref_squeeze %dma_start3A_85 : memref<1x64xi32, #tpu.memory_space<vmem>> -> memref<64xi32, #tpu.memory_space<vmem>>
        %dma_start3A_87 = arith.constant 0 : i32
        %dma_start3A_88 = arith.constant 0 : i32
        %dma_start3A_89 = tpu.memref_slice %arg13[%dma_start3A_87, %dma_start3A_88] : memref<10240x128xf32, #tpu.memory_space<vmem_shared>> -> memref<10240x128xf32, #tpu.memory_space<vmem_shared>>
        tpu.enqueue_indirect_dma source(%arg10 : memref<64x128xf32, #tpu.memory_space<vmem>>) target(%dma_start3A_89 : memref<10240x128xf32, #tpu.memory_space<vmem_shared>>) offsets(%dma_start3A_86 : memref<64xi32, #tpu.memory_space<vmem>>) semaphore(%run_scoped3A_83 : memref<!tpu.dma_semaphore, #tpu.memory_space<semaphore_mem>>) {add = true}
        %dma_wait3A_90 = arith.constant 0 : i32
        %dma_wait3A_91 = tpu.memref_slice %arg8[%run_scoped3A_66, %dma_wait3A_90] : memref<40x64xi32, #tpu.memory_space<vmem>> -> memref<1x64xi32, #tpu.memory_space<vmem>>
        %dma_wait3A_92 = tpu.memref_squeeze %dma_wait3A_91 : memref<1x64xi32, #tpu.memory_space<vmem>> -> memref<64xi32, #tpu.memory_space<vmem>>
        %dma_wait3A_93 = arith.constant 0 : i32
        %dma_wait3A_94 = arith.constant 0 : i32
        %dma_wait3A_95 = tpu.memref_slice %arg13[%dma_wait3A_93, %dma_wait3A_94] : memref<10240x128xf32, #tpu.memory_space<vmem_shared>> -> memref<10240x128xf32, #tpu.memory_space<vmem_shared>>
        tpu.wait_indirect_dma semaphore(%run_scoped3A_83 : memref<!tpu.dma_semaphore, #tpu.memory_space<semaphore_mem>>) src(%arg10 : memref<64x128xf32, #tpu.memory_space<vmem>>) dst(%dma_wait3A_95 : memref<10240x128xf32, #tpu.memory_space<vmem_shared>>)
        tpu.yield
      }) : () -> ()
      %dma_wait3A_67 = arith.constant 38 : i32
      %dma_wait3A_68 = arith.constant 0 : i32
      %dma_wait3A_69 = tpu.memref_slice %arg7[%dma_wait3A_67, %dma_wait3A_68] : memref<40x64xi32, #tpu.memory_space<vmem>> -> memref<1x64xi32, #tpu.memory_space<vmem>>
      %dma_wait3A_70 = tpu.memref_squeeze %dma_wait3A_69 : memref<1x64xi32, #tpu.memory_space<vmem>> -> memref<64xi32, #tpu.memory_space<vmem>>
      %dma_wait3A_71 = arith.constant 0 : i32
      %dma_wait3A_72 = arith.constant 0 : i32
      %dma_wait3A_73 = tpu.memref_slice %arg2[%dma_wait3A_71, %dma_wait3A_72] : memref<10240x128xf32, #tpu.memory_space<hbm>> -> memref<10240x128xf32, #tpu.memory_space<hbm>>
      tpu.wait_indirect_dma semaphore(%arg16 : memref<!tpu.dma_semaphore, #tpu.memory_space<semaphore_mem>>) src(%dma_wait3A_73 : memref<10240x128xf32, #tpu.memory_space<hbm>>) dst(%arg11 : memref<64x128xf32, #tpu.memory_space<vmem>>)
      %run_scoped3A_74 = arith.constant 38 : i32
      "tpu.region"() ({
        %run_scoped3A_83 = tpu.sem_alloc : memref<!tpu.dma_semaphore, #tpu.memory_space<semaphore_mem>>
        %dma_start3A_84 = arith.constant 0 : i32
        %dma_start3A_85 = tpu.memref_slice %arg8[%run_scoped3A_74, %dma_start3A_84] : memref<40x64xi32, #tpu.memory_space<vmem>> -> memref<1x64xi32, #tpu.memory_space<vmem>>
        %dma_start3A_86 = tpu.memref_squeeze %dma_start3A_85 : memref<1x64xi32, #tpu.memory_space<vmem>> -> memref<64xi32, #tpu.memory_space<vmem>>
        %dma_start3A_87 = arith.constant 0 : i32
        %dma_start3A_88 = arith.constant 0 : i32
        %dma_start3A_89 = tpu.memref_slice %arg13[%dma_start3A_87, %dma_start3A_88] : memref<10240x128xf32, #tpu.memory_space<vmem_shared>> -> memref<10240x128xf32, #tpu.memory_space<vmem_shared>>
        tpu.enqueue_indirect_dma source(%arg11 : memref<64x128xf32, #tpu.memory_space<vmem>>) target(%dma_start3A_89 : memref<10240x128xf32, #tpu.memory_space<vmem_shared>>) offsets(%dma_start3A_86 : memref<64xi32, #tpu.memory_space<vmem>>) semaphore(%run_scoped3A_83 : memref<!tpu.dma_semaphore, #tpu.memory_space<semaphore_mem>>) {add = true}
        %dma_wait3A_90 = arith.constant 0 : i32
        %dma_wait3A_91 = tpu.memref_slice %arg8[%run_scoped3A_74, %dma_wait3A_90] : memref<40x64xi32, #tpu.memory_space<vmem>> -> memref<1x64xi32, #tpu.memory_space<vmem>>
        %dma_wait3A_92 = tpu.memref_squeeze %dma_wait3A_91 : memref<1x64xi32, #tpu.memory_space<vmem>> -> memref<64xi32, #tpu.memory_space<vmem>>
        %dma_wait3A_93 = arith.constant 0 : i32
        %dma_wait3A_94 = arith.constant 0 : i32
        %dma_wait3A_95 = tpu.memref_slice %arg13[%dma_wait3A_93, %dma_wait3A_94] : memref<10240x128xf32, #tpu.memory_space<vmem_shared>> -> memref<10240x128xf32, #tpu.memory_space<vmem_shared>>
        tpu.wait_indirect_dma semaphore(%run_scoped3A_83 : memref<!tpu.dma_semaphore, #tpu.memory_space<semaphore_mem>>) src(%arg11 : memref<64x128xf32, #tpu.memory_space<vmem>>) dst(%dma_wait3A_95 : memref<10240x128xf32, #tpu.memory_space<vmem_shared>>)
        tpu.yield
      }) : () -> ()
      %dma_wait3A_75 = arith.constant 39 : i32
      %dma_wait3A_76 = arith.constant 0 : i32
      %dma_wait3A_77 = tpu.memref_slice %arg7[%dma_wait3A_75, %dma_wait3A_76] : memref<40x64xi32, #tpu.memory_space<vmem>> -> memref<1x64xi32, #tpu.memory_space<vmem>>
      %dma_wait3A_78 = tpu.memref_squeeze %dma_wait3A_77 : memref<1x64xi32, #tpu.memory_space<vmem>> -> memref<64xi32, #tpu.memory_space<vmem>>
      %dma_wait3A_79 = arith.constant 0 : i32
      %dma_wait3A_80 = arith.constant 0 : i32
      %dma_wait3A_81 = tpu.memref_slice %arg2[%dma_wait3A_79, %dma_wait3A_80] : memref<10240x128xf32, #tpu.memory_space<hbm>> -> memref<10240x128xf32, #tpu.memory_space<hbm>>
      tpu.wait_indirect_dma semaphore(%arg17 : memref<!tpu.dma_semaphore, #tpu.memory_space<semaphore_mem>>) src(%dma_wait3A_81 : memref<10240x128xf32, #tpu.memory_space<hbm>>) dst(%arg12 : memref<64x128xf32, #tpu.memory_space<vmem>>)
      %run_scoped3A_82 = arith.constant 39 : i32
      "tpu.region"() ({
        %run_scoped3A_83 = tpu.sem_alloc : memref<!tpu.dma_semaphore, #tpu.memory_space<semaphore_mem>>
        %dma_start3A_84 = arith.constant 0 : i32
        %dma_start3A_85 = tpu.memref_slice %arg8[%run_scoped3A_82, %dma_start3A_84] : memref<40x64xi32, #tpu.memory_space<vmem>> -> memref<1x64xi32, #tpu.memory_space<vmem>>
        %dma_start3A_86 = tpu.memref_squeeze %dma_start3A_85 : memref<1x64xi32, #tpu.memory_space<vmem>> -> memref<64xi32, #tpu.memory_space<vmem>>
        %dma_start3A_87 = arith.constant 0 : i32
        %dma_start3A_88 = arith.constant 0 : i32
        %dma_start3A_89 = tpu.memref_slice %arg13[%dma_start3A_87, %dma_start3A_88] : memref<10240x128xf32, #tpu.memory_space<vmem_shared>> -> memref<10240x128xf32, #tpu.memory_space<vmem_shared>>
        tpu.enqueue_indirect_dma source(%arg12 : memref<64x128xf32, #tpu.memory_space<vmem>>) target(%dma_start3A_89 : memref<10240x128xf32, #tpu.memory_space<vmem_shared>>) offsets(%dma_start3A_86 : memref<64xi32, #tpu.memory_space<vmem>>) semaphore(%run_scoped3A_83 : memref<!tpu.dma_semaphore, #tpu.memory_space<semaphore_mem>>) {add = true}
        %dma_wait3A_90 = arith.constant 0 : i32
        %dma_wait3A_91 = tpu.memref_slice %arg8[%run_scoped3A_82, %dma_wait3A_90] : memref<40x64xi32, #tpu.memory_space<vmem>> -> memref<1x64xi32, #tpu.memory_space<vmem>>
        %dma_wait3A_92 = tpu.memref_squeeze %dma_wait3A_91 : memref<1x64xi32, #tpu.memory_space<vmem>> -> memref<64xi32, #tpu.memory_space<vmem>>
        %dma_wait3A_93 = arith.constant 0 : i32
        %dma_wait3A_94 = arith.constant 0 : i32
        %dma_wait3A_95 = tpu.memref_slice %arg13[%dma_wait3A_93, %dma_wait3A_94] : memref<10240x128xf32, #tpu.memory_space<vmem_shared>> -> memref<10240x128xf32, #tpu.memory_space<vmem_shared>>
        tpu.wait_indirect_dma semaphore(%run_scoped3A_83 : memref<!tpu.dma_semaphore, #tpu.memory_space<semaphore_mem>>) src(%arg12 : memref<64x128xf32, #tpu.memory_space<vmem>>) dst(%dma_wait3A_95 : memref<10240x128xf32, #tpu.memory_space<vmem_shared>>)
        tpu.yield
      }) : () -> ()
    }
    %scan3A_6 = arith.constant 4 : i32
    %barrier3A_7 = arith.constant 0 : index
    tpu.barrier barrier_id(%barrier3A_7)
    %mul3A_8 = arith.constant 640 : i32
    %mul3A_9 = arith.muli %arg1, %mul3A_8 : i32
    %mul3A_10 = arith.constant 640 : i32
    %mul3A_11 = arith.muli %arg1, %mul3A_10 : i32
    "tpu.region"() ({
      %run_scoped3A = tpu.sem_alloc : memref<!tpu.dma_semaphore, #tpu.memory_space<semaphore_mem>>
      %dma_start3A = arith.constant 0 : i32
      %dma_start3A_12 = arith.constant 0 : i32
      %dma_start3A_13 = tpu.memref_slice %arg6[%arg0, %dma_start3A, %dma_start3A_12] : memref<2x10240x128xf32, #tpu.memory_space<hbm>> -> memref<1x10240x128xf32, #tpu.memory_space<hbm>>
      %dma_start3A_14 = tpu.memref_squeeze %dma_start3A_13 : memref<1x10240x128xf32, #tpu.memory_space<hbm>> -> memref<10240x128xf32, #tpu.memory_space<hbm>>
      %dma_start3A_15 = arith.constant 0 : i32
      %dma_start3A_16 = tpu.memref_slice %dma_start3A_14[%mul3A_11, %dma_start3A_15] : memref<10240x128xf32, #tpu.memory_space<hbm>> -> memref<640x128xf32, #tpu.memory_space<hbm>>
      %dma_start3A_17 = arith.constant 0 : i32
      %dma_start3A_18 = tpu.memref_slice %arg13[%mul3A_9, %dma_start3A_17] : memref<10240x128xf32, #tpu.memory_space<vmem_shared>> -> memref<640x128xf32, #tpu.memory_space<vmem_shared>>
      tpu.enqueue_dma source(%dma_start3A_18 : memref<640x128xf32, #tpu.memory_space<vmem_shared>>) target(%dma_start3A_16 : memref<640x128xf32, #tpu.memory_space<hbm>>) target_semaphore(%run_scoped3A : memref<!tpu.dma_semaphore, #tpu.memory_space<semaphore_mem>>)
      %dma_wait3A = arith.constant 0 : i32
      %dma_wait3A_19 = arith.constant 0 : i32
      %dma_wait3A_20 = tpu.memref_slice %arg6[%arg0, %dma_wait3A, %dma_wait3A_19] : memref<2x10240x128xf32, #tpu.memory_space<hbm>> -> memref<1x10240x128xf32, #tpu.memory_space<hbm>>
      %dma_wait3A_21 = tpu.memref_squeeze %dma_wait3A_20 : memref<1x10240x128xf32, #tpu.memory_space<hbm>> -> memref<10240x128xf32, #tpu.memory_space<hbm>>
      %dma_wait3A_22 = arith.constant 0 : i32
      %dma_wait3A_23 = tpu.memref_slice %dma_wait3A_21[%mul3A_11, %dma_wait3A_22] : memref<10240x128xf32, #tpu.memory_space<hbm>> -> memref<640x128xf32, #tpu.memory_space<hbm>>
      %dma_wait3A_24 = arith.constant 0 : i32
      %dma_wait3A_25 = tpu.memref_slice %arg13[%mul3A_9, %dma_wait3A_24] : memref<10240x128xf32, #tpu.memory_space<vmem_shared>> -> memref<640x128xf32, #tpu.memory_space<vmem_shared>>
      tpu.wait_dma2 semaphore(%run_scoped3A : memref<!tpu.dma_semaphore, #tpu.memory_space<semaphore_mem>>) src(%dma_wait3A_25 : memref<640x128xf32, #tpu.memory_space<vmem_shared>>) dst(%dma_wait3A_23 : memref<640x128xf32, #tpu.memory_space<hbm>>)
      tpu.yield
    }) : () -> ()
    return
  }
}

module attributes {stable_mosaic.version = 14 : i64} {
  func.func @_tc_prescale_body(%arg0: i32, %arg1: memref<1280x128xf32, #tpu.memory_space<vmem>>, %arg2: memref<1280x128xf32, #tpu.memory_space<vmem>>, %arg3: memref<1280x128xf32, #tpu.memory_space<vmem>>, %arg4: memref<1280x128xf32, #tpu.memory_space<vmem>>, %arg5: memref<1280x128xf32, #tpu.memory_space<vmem>>) attributes {dimension_semantics = [#tpu.dimension_semantics<arbitrary>], iteration_bounds = array<i64: 8>, scalar_prefetch = 0 : i64, scratch_operands = 0 : i64, tpu.core_type = #tpu.core_type<tc>, window_params = [{transform_indices = @transform_0, window_bounds = array<i64: 1280, 128>}, {transform_indices = @transform_1, window_bounds = array<i64: 1280, 128>}, {transform_indices = @transform_2, window_bounds = array<i64: 1280, 128>}, {transform_indices = @transform_3, window_bounds = array<i64: 1280, 128>}, {transform_indices = @transform_4, window_bounds = array<i64: 1280, 128>}]} {
    %get3A = arith.constant 0 : index
    %get3A_0 = arith.constant 0 : index
    %get3A_1 = vector.load %arg1[%get3A, %get3A_0] : memref<1280x128xf32, #tpu.memory_space<vmem>>, vector<1280x1xf32>
    %get3A_2 = arith.constant 0 : index
    %get3A_3 = arith.constant 0 : index
    %get3A_4 = vector.load %arg2[%get3A_2, %get3A_3] : memref<1280x128xf32, #tpu.memory_space<vmem>>, vector<1280x1xf32>
    %add3A = arith.addf %get3A_1, %get3A_4 : vector<1280x1xf32>
    %add3A_5 = arith.constant 1.000000e+00 : f32
    %add3A_6 = vector.broadcast %add3A_5 : f32 to vector<1280x1xf32>
    %add3A_7 = arith.addf %add3A, %add3A_6 : vector<1280x1xf32>
    %rsqrt3A = math.rsqrt %add3A_7 : vector<1280x1xf32>
    %broadcast_in_dim3A = vector.shape_cast %rsqrt3A : vector<1280x1xf32> to vector<1280x1xf32>
    %broadcast_in_dim3A_8 = vector.broadcast %broadcast_in_dim3A : vector<1280x1xf32> to vector<1280x128xf32>
    %swap3A = arith.constant 0 : index
    %swap3A_9 = arith.constant 0 : index
    %swap3A_10 = vector.load %arg4[%swap3A, %swap3A_9] : memref<1280x128xf32, #tpu.memory_space<vmem>>, vector<1280x128xf32>
    tpu.vector_store %arg4[%swap3A, %swap3A_9], %broadcast_in_dim3A_8 {strides = array<i32>} : memref<1280x128xf32, #tpu.memory_space<vmem>>, vector<1280x128xf32>,
    %get3A_11 = arith.constant 0 : index
    %get3A_12 = arith.constant 0 : index
    %get3A_13 = vector.load %arg3[%get3A_11, %get3A_12] : memref<1280x128xf32, #tpu.memory_space<vmem>>, vector<1280x128xf32>
    %mul3A = arith.mulf %broadcast_in_dim3A_8, %get3A_13 : vector<1280x128xf32>
    %swap3A_14 = arith.constant 0 : index
    %swap3A_15 = arith.constant 0 : index
    %swap3A_16 = vector.load %arg5[%swap3A_14, %swap3A_15] : memref<1280x128xf32, #tpu.memory_space<vmem>>, vector<1280x128xf32>
    tpu.vector_store %arg5[%swap3A_14, %swap3A_15], %mul3A {strides = array<i32>} : memref<1280x128xf32, #tpu.memory_space<vmem>>, vector<1280x128xf32>,
    return
  }
  func.func @transform_0(%arg0: i32) -> (i32, i32) {
    %c0_i32 = arith.constant 0 : i32
    %c0_i32_0 = arith.constant 0 : i32
    return %arg0, %c0_i32 : i32, i32
  }
  func.func @transform_1(%arg0: i32) -> (i32, i32) {
    %c0_i32 = arith.constant 0 : i32
    %c0_i32_0 = arith.constant 0 : i32
    return %arg0, %c0_i32 : i32, i32
  }
  func.func @transform_2(%arg0: i32) -> (i32, i32) {
    %c0_i32 = arith.constant 0 : i32
    %c0_i32_0 = arith.constant 0 : i32
    return %arg0, %c0_i32 : i32, i32
  }
  func.func @transform_3(%arg0: i32) -> (i32, i32) {
    %c0_i32 = arith.constant 0 : i32
    %c0_i32_0 = arith.constant 0 : i32
    return %arg0, %c0_i32 : i32, i32
  }
  func.func @transform_4(%arg0: i32) -> (i32, i32) {
    %c0_i32 = arith.constant 0 : i32
    %c0_i32_0 = arith.constant 0 : i32
    return %arg0, %c0_i32 : i32, i32
  }
}

module attributes {stable_mosaic.version = 14 : i64} {
  func.func @_tc_layer1_body(%arg0: i32, %arg1: memref<1280x128xf32, #tpu.memory_space<vmem>>, %arg2: memref<1280x128xf32, #tpu.memory_space<vmem>>, %arg3: memref<1280x128xf32, #tpu.memory_space<vmem>>, %arg4: memref<1280x128xf32, #tpu.memory_space<vmem>>, %arg5: memref<128x128xf32, #tpu.memory_space<vmem>>, %arg6: memref<1x128xf32, #tpu.memory_space<vmem>>, %arg7: memref<1280x128xf32, #tpu.memory_space<vmem>>, %arg8: memref<1280x128xf32, #tpu.memory_space<vmem>>) attributes {dimension_semantics = [#tpu.dimension_semantics<arbitrary>], iteration_bounds = array<i64: 8>, scalar_prefetch = 0 : i64, scratch_operands = 0 : i64, tpu.core_type = #tpu.core_type<tc>, window_params = [{transform_indices = @transform_0, window_bounds = array<i64: 1280, 128>}, {transform_indices = @transform_1, window_bounds = array<i64: 1280, 128>}, {transform_indices = @transform_2, window_bounds = array<i64: 1280, 128>}, {transform_indices = @transform_3, window_bounds = array<i64: 1280, 128>}, {pipeline_mode = #tpu.pipeline_mode<synchronous>, transform_indices = @transform_4, window_bounds = array<i64: 128, 128>}, {pipeline_mode = #tpu.pipeline_mode<synchronous>, transform_indices = @transform_5, window_bounds = array<i64: 1, 128>}, {transform_indices = @transform_6, window_bounds = array<i64: 1280, 128>}, {transform_indices = @transform_7, window_bounds = array<i64: 1280, 128>}]} {
    %get3A = arith.constant 0 : index
    %get3A_0 = arith.constant 0 : index
    %get3A_1 = vector.load %arg4[%get3A, %get3A_0] : memref<1280x128xf32, #tpu.memory_space<vmem>>, vector<1280x128xf32>
    %get3A_2 = arith.constant 0 : index
    %get3A_3 = arith.constant 0 : index
    %get3A_4 = vector.load %arg1[%get3A_2, %get3A_3] : memref<1280x128xf32, #tpu.memory_space<vmem>>, vector<1280x128xf32>
    %get3A_5 = arith.constant 0 : index
    %get3A_6 = arith.constant 0 : index
    %get3A_7 = vector.load %arg2[%get3A_5, %get3A_6] : memref<1280x128xf32, #tpu.memory_space<vmem>>, vector<1280x128xf32>
    %add3A = arith.addf %get3A_4, %get3A_7 : vector<1280x128xf32>
    %mul3A = arith.mulf %get3A_1, %add3A : vector<1280x128xf32>
    %mul3A_8 = arith.mulf %get3A_1, %get3A_1 : vector<1280x128xf32>
    %get3A_9 = arith.constant 0 : index
    %get3A_10 = arith.constant 0 : index
    %get3A_11 = vector.load %arg3[%get3A_9, %get3A_10] : memref<1280x128xf32, #tpu.memory_space<vmem>>, vector<1280x128xf32>
    %mul3A_12 = arith.mulf %mul3A_8, %get3A_11 : vector<1280x128xf32>
    %add3A_13 = arith.addf %mul3A, %mul3A_12 : vector<1280x128xf32>
    %get3A_14 = arith.constant 0 : index
    %get3A_15 = arith.constant 0 : index
    %get3A_16 = vector.load %arg5[%get3A_14, %get3A_15] : memref<128x128xf32, #tpu.memory_space<vmem>>, vector<128x128xf32>
    %dot_general3A = arith.constant dense<0.000000e+00> : vector<1280x128xf32>
    %dot_general3A_17 = tpu.matmul %add3A_13, %get3A_16, %dot_general3A {dimension_numbers = #tpu.dot_dimension_numbers<[1], [0], [0], [1], [0, 0, 1, 1], [], []>, transpose_lhs_hint = false} : vector<1280x128xf32>, vector<128x128xf32>, vector<1280x128xf32> -> vector<1280x128xf32>
    %get3A_18 = arith.constant 0 : index
    %get3A_19 = arith.constant 0 : index
    %get3A_20 = vector.load %arg6[%get3A_18, %get3A_19] : memref<1x128xf32, #tpu.memory_space<vmem>>, vector<1x128xf32>
    %add3A_21 = vector.broadcast %get3A_20 : vector<1x128xf32> to vector<1280x128xf32>
    %add3A_22 = arith.addf %dot_general3A_17, %add3A_21 : vector<1280x128xf32>
    %max3A = arith.constant 0.000000e+00 : f32
    %max3A_23 = vector.broadcast %max3A : f32 to vector<1280x128xf32>
    %max3A_24 = arith.maximumf %add3A_22, %max3A_23 : vector<1280x128xf32>
    %swap3A = arith.constant 0 : index
    %swap3A_25 = arith.constant 0 : index
    %swap3A_26 = vector.load %arg7[%swap3A, %swap3A_25] : memref<1280x128xf32, #tpu.memory_space<vmem>>, vector<1280x128xf32>
    tpu.vector_store %arg7[%swap3A, %swap3A_25], %max3A_24 {strides = array<i32>} : memref<1280x128xf32, #tpu.memory_space<vmem>>, vector<1280x128xf32>,
    %mul3A_27 = arith.mulf %get3A_1, %max3A_24 : vector<1280x128xf32>
    %swap3A_28 = arith.constant 0 : index
    %swap3A_29 = arith.constant 0 : index
    %swap3A_30 = vector.load %arg8[%swap3A_28, %swap3A_29] : memref<1280x128xf32, #tpu.memory_space<vmem>>, vector<1280x128xf32>
    tpu.vector_store %arg8[%swap3A_28, %swap3A_29], %mul3A_27 {strides = array<i32>} : memref<1280x128xf32, #tpu.memory_space<vmem>>, vector<1280x128xf32>,
    return
  }
  func.func @transform_0(%arg0: i32) -> (i32, i32) {
    %c0_i32 = arith.constant 0 : i32
    %c0_i32_0 = arith.constant 0 : i32
    return %arg0, %c0_i32 : i32, i32
  }
  func.func @transform_1(%arg0: i32) -> (i32, i32) {
    %c0_i32 = arith.constant 0 : i32
    %c0_i32_0 = arith.constant 0 : i32
    return %arg0, %c0_i32 : i32, i32
  }
  func.func @transform_2(%arg0: i32) -> (i32, i32) {
    %c0_i32 = arith.constant 0 : i32
    %c0_i32_0 = arith.constant 0 : i32
    return %arg0, %c0_i32 : i32, i32
  }
  func.func @transform_3(%arg0: i32) -> (i32, i32) {
    %c0_i32 = arith.constant 0 : i32
    %c0_i32_0 = arith.constant 0 : i32
    return %arg0, %c0_i32 : i32, i32
  }
  func.func @transform_4(%arg0: i32) -> (i32, i32) {
    %c0_i32 = arith.constant 0 : i32
    %c0_i32_0 = arith.constant 0 : i32
    %c0_i32_1 = arith.constant 0 : i32
    return %c0_i32, %c0_i32_0 : i32, i32
  }
  func.func @transform_5(%arg0: i32) -> (i32, i32) {
    %c0_i32 = arith.constant 0 : i32
    %c0_i32_0 = arith.constant 0 : i32
    %c0_i32_1 = arith.constant 0 : i32
    return %c0_i32, %c0_i32_0 : i32, i32
  }
  func.func @transform_6(%arg0: i32) -> (i32, i32) {
    %c0_i32 = arith.constant 0 : i32
    %c0_i32_0 = arith.constant 0 : i32
    return %arg0, %c0_i32 : i32, i32
  }
  func.func @transform_7(%arg0: i32) -> (i32, i32) {
    %c0_i32 = arith.constant 0 : i32
    %c0_i32_0 = arith.constant 0 : i32
    return %arg0, %c0_i32 : i32, i32
  }
}

module attributes {stable_mosaic.version = 14 : i64} {
  func.func @_tc_layer2_body(%arg0: i32, %arg1: memref<2000x128xf32, #tpu.memory_space<vmem>>, %arg2: memref<2000x128xf32, #tpu.memory_space<vmem>>, %arg3: memref<2000x128xf32, #tpu.memory_space<vmem>>, %arg4: memref<2000x128xf32, #tpu.memory_space<vmem>>, %arg5: memref<128x128xf32, #tpu.memory_space<vmem>>, %arg6: memref<1x128xf32, #tpu.memory_space<vmem>>, %arg7: memref<128x128xf32, #tpu.memory_space<vmem>>, %arg8: memref<1x128xf32, #tpu.memory_space<vmem>>, %arg9: memref<2000x128xf32, #tpu.memory_space<vmem>>, %arg10: memref<2000x128xf32, #tpu.memory_space<vmem>>) attributes {dimension_semantics = [#tpu.dimension_semantics<arbitrary>], iteration_bounds = array<i64: 5>, scalar_prefetch = 0 : i64, scratch_operands = 0 : i64, tpu.core_type = #tpu.core_type<tc>, window_params = [{transform_indices = @transform_0, window_bounds = array<i64: 2000, 128>}, {transform_indices = @transform_1, window_bounds = array<i64: 2000, 128>}, {transform_indices = @transform_2, window_bounds = array<i64: 2000, 128>}, {transform_indices = @transform_3, window_bounds = array<i64: 2000, 128>}, {pipeline_mode = #tpu.pipeline_mode<synchronous>, transform_indices = @transform_4, window_bounds = array<i64: 128, 128>}, {pipeline_mode = #tpu.pipeline_mode<synchronous>, transform_indices = @transform_5, window_bounds = array<i64: 1, 128>}, {pipeline_mode = #tpu.pipeline_mode<synchronous>, transform_indices = @transform_6, window_bounds = array<i64: 128, 128>}, {pipeline_mode = #tpu.pipeline_mode<synchronous>, transform_indices = @transform_7, window_bounds = array<i64: 1, 128>}, {transform_indices = @transform_8, window_bounds = array<i64: 2000, 128>}, {transform_indices = @transform_9, window_bounds = array<i64: 2000, 128>}]} {
    %get3A = arith.constant 0 : index
    %get3A_0 = arith.constant 0 : index
    %get3A_1 = vector.load %arg4[%get3A, %get3A_0] : memref<2000x128xf32, #tpu.memory_space<vmem>>, vector<2000x128xf32>
    %get3A_2 = arith.constant 0 : index
    %get3A_3 = arith.constant 0 : index
    %get3A_4 = vector.load %arg1[%get3A_2, %get3A_3] : memref<2000x128xf32, #tpu.memory_space<vmem>>, vector<2000x128xf32>
    %get3A_5 = arith.constant 0 : index
    %get3A_6 = arith.constant 0 : index
    %get3A_7 = vector.load %arg2[%get3A_5, %get3A_6] : memref<2000x128xf32, #tpu.memory_space<vmem>>, vector<2000x128xf32>
    %add3A = arith.addf %get3A_4, %get3A_7 : vector<2000x128xf32>
    %mul3A = arith.mulf %get3A_1, %add3A : vector<2000x128xf32>
    %mul3A_8 = arith.mulf %get3A_1, %get3A_1 : vector<2000x128xf32>
    %get3A_9 = arith.constant 0 : index
    %get3A_10 = arith.constant 0 : index
    %get3A_11 = vector.load %arg3[%get3A_9, %get3A_10] : memref<2000x128xf32, #tpu.memory_space<vmem>>, vector<2000x128xf32>
    %mul3A_12 = arith.mulf %mul3A_8, %get3A_11 : vector<2000x128xf32>
    %add3A_13 = arith.addf %mul3A, %mul3A_12 : vector<2000x128xf32>
    %get3A_14 = arith.constant 0 : index
    %get3A_15 = arith.constant 0 : index
    %get3A_16 = vector.load %arg5[%get3A_14, %get3A_15] : memref<128x128xf32, #tpu.memory_space<vmem>>, vector<128x128xf32>
    %dot_general3A = arith.constant dense<0.000000e+00> : vector<2000x128xf32>
    %dot_general3A_17 = tpu.matmul %add3A_13, %get3A_16, %dot_general3A {dimension_numbers = #tpu.dot_dimension_numbers<[1], [0], [0], [1], [0, 0, 1, 1], [], []>, transpose_lhs_hint = false} : vector<2000x128xf32>, vector<128x128xf32>, vector<2000x128xf32> -> vector<2000x128xf32>
    %get3A_18 = arith.constant 0 : index
    %get3A_19 = arith.constant 0 : index
    %get3A_20 = vector.load %arg6[%get3A_18, %get3A_19] : memref<1x128xf32, #tpu.memory_space<vmem>>, vector<1x128xf32>
    %add3A_21 = vector.broadcast %get3A_20 : vector<1x128xf32> to vector<2000x128xf32>
    %add3A_22 = arith.addf %dot_general3A_17, %add3A_21 : vector<2000x128xf32>
    %swap3A = arith.constant 0 : index
    %swap3A_23 = arith.constant 0 : index
    %swap3A_24 = vector.load %arg9[%swap3A, %swap3A_23] : memref<2000x128xf32, #tpu.memory_space<vmem>>, vector<2000x128xf32>
    tpu.vector_store %arg9[%swap3A, %swap3A_23], %add3A_22 {strides = array<i32>} : memref<2000x128xf32, #tpu.memory_space<vmem>>, vector<2000x128xf32>,
    %get3A_25 = arith.constant 0 : index
    %get3A_26 = arith.constant 0 : index
    %get3A_27 = vector.load %arg7[%get3A_25, %get3A_26] : memref<128x128xf32, #tpu.memory_space<vmem>>, vector<128x128xf32>
    %dot_general3A_28 = arith.constant dense<0.000000e+00> : vector<2000x128xf32>
    %dot_general3A_29 = tpu.matmul %add3A_13, %get3A_27, %dot_general3A_28 {dimension_numbers = #tpu.dot_dimension_numbers<[1], [0], [0], [1], [0, 0, 1, 1], [], []>, transpose_lhs_hint = false} : vector<2000x128xf32>, vector<128x128xf32>, vector<2000x128xf32> -> vector<2000x128xf32>
    %get3A_30 = arith.constant 0 : index
    %get3A_31 = arith.constant 0 : index
    %get3A_32 = vector.load %arg8[%get3A_30, %get3A_31] : memref<1x128xf32, #tpu.memory_space<vmem>>, vector<1x128xf32>
    %add3A_33 = vector.broadcast %get3A_32 : vector<1x128xf32> to vector<2000x128xf32>
    %add3A_34 = arith.addf %dot_general3A_29, %add3A_33 : vector<2000x128xf32>
    %swap3A_35 = arith.constant 0 : index
    %swap3A_36 = arith.constant 0 : index
    %swap3A_37 = vector.load %arg10[%swap3A_35, %swap3A_36] : memref<2000x128xf32, #tpu.memory_space<vmem>>, vector<2000x128xf32>
    tpu.vector_store %arg10[%swap3A_35, %swap3A_36], %add3A_34 {strides = array<i32>} : memref<2000x128xf32, #tpu.memory_space<vmem>>, vector<2000x128xf32>,
    return
  }
  func.func @transform_0(%arg0: i32) -> (i32, i32) {
    %c0_i32 = arith.constant 0 : i32
    %c0_i32_0 = arith.constant 0 : i32
    return %arg0, %c0_i32 : i32, i32
  }
  func.func @transform_1(%arg0: i32) -> (i32, i32) {
    %c0_i32 = arith.constant 0 : i32
    %c0_i32_0 = arith.constant 0 : i32
    return %arg0, %c0_i32 : i32, i32
  }
  func.func @transform_2(%arg0: i32) -> (i32, i32) {
    %c0_i32 = arith.constant 0 : i32
    %c0_i32_0 = arith.constant 0 : i32
    return %arg0, %c0_i32 : i32, i32
  }
  func.func @transform_3(%arg0: i32) -> (i32, i32) {
    %c0_i32 = arith.constant 0 : i32
    %c0_i32_0 = arith.constant 0 : i32
    return %arg0, %c0_i32 : i32, i32
  }
  func.func @transform_4(%arg0: i32) -> (i32, i32) {
    %c0_i32 = arith.constant 0 : i32
    %c0_i32_0 = arith.constant 0 : i32
    %c0_i32_1 = arith.constant 0 : i32
    return %c0_i32, %c0_i32_0 : i32, i32
  }
  func.func @transform_5(%arg0: i32) -> (i32, i32) {
    %c0_i32 = arith.constant 0 : i32
    %c0_i32_0 = arith.constant 0 : i32
    %c0_i32_1 = arith.constant 0 : i32
    return %c0_i32, %c0_i32_0 : i32, i32
  }
  func.func @transform_6(%arg0: i32) -> (i32, i32) {
    %c0_i32 = arith.constant 0 : i32
    %c0_i32_0 = arith.constant 0 : i32
    %c0_i32_1 = arith.constant 0 : i32
    return %c0_i32, %c0_i32_0 : i32, i32
  }
  func.func @transform_7(%arg0: i32) -> (i32, i32) {
    %c0_i32 = arith.constant 0 : i32
    %c0_i32_0 = arith.constant 0 : i32
    %c0_i32_1 = arith.constant 0 : i32
    return %c0_i32, %c0_i32_0 : i32, i32
  }
  func.func @transform_8(%arg0: i32) -> (i32, i32) {
    %c0_i32 = arith.constant 0 : i32
    %c0_i32_0 = arith.constant 0 : i32
    return %arg0, %c0_i32 : i32, i32
  }
  func.func @transform_9(%arg0: i32) -> (i32, i32) {
    %c0_i32 = arith.constant 0 : i32
    %c0_i32_0 = arith.constant 0 : i32
    return %arg0, %c0_i32 : i32, i32
  }
}

</mosaic_0001>

<sc_bundles>
// kernel: kernel.11.cloned.1.call-start
scs
__scs_entry_jumppad:
0x0: {  	(pc) =	sbr.rel $0x88, $3  }
0x1: {  	(tag) =	ssettag $0x0;
	lr =	simm.s32 $0x1  }
0x2: {  	[smem:$0x3F99] =	sst lr;
	_ =	strace $0xD0000000  }
0x3: {  	_ = 	snop  }
0x4: {  	_ = 	snop  }
0x5: {  	_ = 	snop  }
0x6: {  	_ = 	snop  }
0x7: {  	_ = 	snop  }
__scs_overlays_trampoline_lowered:
0x8: {  	[smem:$0x3FA8] =	sst s0  }
0x9: {  	[smem:$0x3FA9] =	sst s1  }
0xa: {  	[smem:$0x3FAA] =	sst s2  }
0xb: {  	[smem:$0x3FAB] =	sst s3  }
0xc: {  	[smem:$0x3FAC] =	sst s4  }
0xd: {  	[smem:$0x3FAD] =	sst s5  }
0xe: {  	[smem:$0x3FAE] =	sst s6  }
0xf: {  	[smem:$0x3FAF] =	sst s7  }
0x10: {  	[smem:$0x3FB0] =	sst s8  }
0x11: {  	[smem:$0x3FB1] =	sst s9;
	s0 =	simm.s32 @!p0 $0x0  }
0x12: {  	s1 =	sld [smem:$0x3F97];
	s0 =	simm.s32 @p0 $0x1  }
0x13: {  	[smem:$0x3FB2] =	sst s0;
	s0 =	simm.s32 @!p1 $0x0  }
0x14: {  	s2 =	sld [smem:$0x3F96];
	s0 =	simm.s32 @p1 $0x1  }
0x15: {  	[smem:$0x3FB3] =	sst s0;
	s0 =	simm.s32 @!p2 $0x0  }
0x16: {  	s3 =	sld [smem:$0x3FDB];
	s0 =	simm.s32 @p2 $0x1  }
0x17: {  	s4 =	simm.s32 $0x1BF5;
	[smem:$0x3FB5] =	sst s0  }
0x18: {  	s0 =	sld [smem:$0x3F98];
	_ =	swait.ge [sflag:s4], $0x0  }
0x19: {  	s7 =	sld [smem:$0x3F99]  }
0x1a: {  	s8 =	sadd.s32 $0xFFFFE003, lr  }
0x1b: {  	s9 =	sadd.s32 $0xFFFFFEF7, lr;
	s5 =	simm.s32 $0xFFFFFFFF;
	p2 =	slt.u32 s8, $0xFFFFF086  }
0x1c: {  	p1 =	slt.u32 s9, $0xF7A;
	s5 =	simm.s32 @!p2 $0x0  }
0x1d: {  	s5 =	simm.s32 @p1 $0x1;
	p0 =	seq.s32 s7, s2  }
0x1e: {  	s7 =	smul.u32 @!p0 $0xF7A, s2;
	p2 =	seq.s32 @!p0 s5, $0x0  }
0x1f: {  	s9 =	smul.u32 $0xF7A, s1;
	s8 =	simm.s32 @!p0 $0x1BF5;
	p2 =	por !p2, p0  }
0x20: {  	[sflag:s8] =	ssyncset.s32 @!p0 $0xFFFFF086;
	s6 =	sadd.s32 @!p0 s3, s7;
	s7 =	simm.s32 @!p0 $0x108  }
0x21: {  	s3 =	sadd.s32 s3, s9;
	s6 =	sadd.s32 @!p0 $0x88, s6;
	s7 =	simm.s32 @p2 $0x1082  }
0x22: {  	[simem:s7], [sflag:s8] =	dma.local @!p0 [hbm:s6], $0xF7A  }
0x23: {  	s9 =	sor.u32 $0xD0000000, s2;
	s6 =	simm.s32 $0x108;
	_ =	swait.ge @!p0 [sflag:s8], $0x0  }
0x24: {  	s3 =	sadd.s32 $0x88, s3;
	s6 =	simm.s32 @!p1 $0x1082;
	[sflag:s4] =	ssyncset.s32 $0xFFFFF086  }
0x25: {  	[simem:s6], [sflag:s4] =	dma.local [hbm:s3], $0xF7A  }
0x26: {  	[smem:$0x3F99] =	sst s1;
	(tag) =	ssettag s2;
	_ =	strace s9  }
0x27: {  	s1 =	sld [smem:$0x3FA9]  }
0x28: {  	s2 =	sld [smem:$0x3FAA]  }
0x29: {  	s4 =	sld [smem:$0x3FAC]  }
0x2a: {  	p0 =	seq.s32 s5, $0x0;
	s5 =	sld [smem:$0x3FAD]  }
0x2b: {  	s6 =	sld [smem:$0x3FAE]  }
0x2c: {  	s7 =	sld [smem:$0x3FAF]  }
0x2d: {  	s3 =	simm.s32 $0x108;
	s8 =	sld [smem:$0x3FB0]  }
0x2e: {  	s3 =	simm.s32 @!p0 $0x1082;
	s9 =	sld [smem:$0x3FB1]  }
0x2f: {  	lr =	sadd.s32 s0, s3;
	s0 =	sld [smem:$0x3FA8]  }
0x30: {  	s3 =	sld [smem:$0x3FAB]  }
0x31: {  	[smem:$0x3FB4] =	sst s10  }
0x32: {  	s10 =	sld [smem:$0x3FB2];
	_ =	sdelay $0x3  }
0x33: {  	p0 =	seq.s32 s10, $0x1;
	s10 =	sld [smem:$0x3FB4];
	_ =	sdelay $0x3  }
0x34: {  	[smem:$0x3FB4] =	sst s10  }
0x35: {  	s10 =	sld [smem:$0x3FB3];
	_ =	sdelay $0x3  }
0x36: {  	p1 =	seq.s32 s10, $0x1;
	s10 =	sld [smem:$0x3FB4];
	_ =	sdelay $0x3  }
0x37: {  	[smem:$0x3FB4] =	sst s10  }
0x38: {  	s10 =	sld [smem:$0x3FB5]  }
0x39: {  	_ = 	snop;
	(pc) =	sbr.ind lr, $3  }
0x3a: {  	_ = 	snop  }
0x3b: {  	_ = 	snop  }
0x3c: {  	p2 =	seq.s32 s10, $0x1;
	s10 =	sld [smem:$0x3FB4]  }
0x3d: {  	_ =	shalt  }
0x3e: {  	_ =	shalt  }
0x3f: {  	_ =	shalt  }
0x40: {  	_ =	shalt  }
0x41: {  	_ =	shalt  }
0x42: {  	_ =	shalt  }
0x43: {  	_ =	shalt  }
0x44: {  	_ =	shalt  }
0x45: {  	_ =	shalt  }
0x46: {  	_ =	shalt  }
0x47: {  	_ =	shalt  }
0x48: {  	_ =	shalt  }
0x49: {  	_ =	shalt  }
0x4a: {  	_ =	shalt  }
0x4b: {  	_ =	shalt  }
0x4c: {  	_ =	shalt  }
0x4d: {  	_ =	shalt  }
0x4e: {  	_ =	shalt  }
0x4f: {  	_ =	shalt  }
0x50: {  	_ =	shalt  }
0x51: {  	_ =	shalt  }
0x52: {  	_ =	shalt  }
0x53: {  	_ =	shalt  }
0x54: {  	_ =	shalt  }
0x55: {  	_ =	shalt  }
0x56: {  	_ =	shalt  }
0x57: {  	_ =	shalt  }
0x58: {  	_ =	shalt  }
0x59: {  	_ =	shalt  }
0x5a: {  	_ =	shalt  }
0x5b: {  	_ =	shalt  }
0x5c: {  	_ =	shalt  }
0x5d: {  	_ =	shalt  }
0x5e: {  	_ =	shalt  }
0x5f: {  	_ =	shalt  }
0x60: {  	_ =	shalt  }
0x61: {  	_ =	shalt  }
0x62: {  	_ =	shalt  }
0x63: {  	_ =	shalt  }
0x64: {  	_ =	shalt  }
0x65: {  	_ =	shalt  }
0x66: {  	_ =	shalt  }
0x67: {  	_ =	shalt  }
0x68: {  	_ =	shalt  }
0x69: {  	_ =	shalt  }
0x6a: {  	_ =	shalt  }
0x6b: {  	_ =	shalt  }
0x6c: {  	_ =	shalt  }
0x6d: {  	_ =	shalt  }
0x6e: {  	_ =	shalt  }
0x6f: {  	_ =	shalt  }
0x70: {  	_ =	shalt  }
0x71: {  	_ =	shalt  }
0x72: {  	_ =	shalt  }
0x73: {  	_ =	shalt  }
0x74: {  	_ =	shalt  }
0x75: {  	_ =	shalt  }
0x76: {  	_ =	shalt  }
0x77: {  	_ =	shalt  }
0x78: {  	_ =	shalt  }
0x79: {  	_ =	shalt  }
0x7a: {  	_ =	shalt  }
0x7b: {  	_ =	shalt  }
0x7c: {  	_ =	shalt  }
0x7d: {  	_ =	shalt  }
0x7e: {  	_ =	shalt  }
0x7f: {  	_ =	shalt  }
0x80: {  	_ =	shalt  }
0x81: {  	_ =	shalt  }
0x82: {  	_ =	shalt  }
0x83: {  	_ =	shalt  }
0x84: {  	_ =	shalt  }
0x85: {  	_ =	shalt  }
0x86: {  	_ =	shalt  }
0x87: {  	_ =	shalt  }
.Lfunc_end0:
.L_simem_size_0:
called_computation.1_lowered:
.L_overlay_start_0:
0x88: {  	s2 =	sld [smem:$0x3FD9]  }
0x89: {  	s3 =	sld [smem:$0x3FFE];
	_ =	sdelay $0x1  }
0x8a: {  	s1 =	srdreg.scid  }
0x8b: {  	s0 =	sand.u32 $0x1, s1  }
0x8c: {  	s14 =	sshll.u32 s0, $0xA;
	s2 =	sadd.s32 s3, s2  }
0x8d: {  	s2 =	sadd.s32 s2, s14  }
0x8e: {  	[smem:$0x3FC0] =	sst s2  }
0x8f: {  	_ = 	snop  }
0x90: {  	s2 =	sld [smem:$0x3FD0];
	_ =	sdelay $0x2  }
0x91: {  	s15 =	simm.s32 $0xA;
	s4 =	simm.s32 $0x10  }
0x92: {  	[smem:s4], [sflag:s15] =	dma.local [hbm:s2], $0x1  }
0x93: {  	_ =	swait.eq [sflag:s15], $0x1  }
0x94: {  	[sflag:s15] =	ssyncset.done $0x0  }
0x95: {  	s16 =	sld [smem:$0x10];
	[sflag:s15] =	ssyncadd.s32 $0xFFFFFFFF  }
0x96: {  	s17 =	sld [smem:$0x11];
	(tm) =	ssettm $0x1  }
0x97: {  	s18 =	sld [smem:$0x3FFB];
	_ =	sdelay $0x3  }
0x98: {  	_ =	strace s18  }
0x99: {  	s4 =	sld [smem:$0x3FFC];
	_ =	sdelay $0x3  }
0x9a: {  	_ =	strace s4  }
0x9b: {  	s4 =	sld [smem:$0x3FFD];
	_ =	sdelay $0x3  }
0x9c: {  	_ =	strace s4  }
0x9d: {  	_ =	strace $0x8FFFFFFF  }
0x9e: {  	s19 =	sld [smem:$0x3FDB];
	_ =	sdelay $0x1  }
0x9f: {  	s5 =	simm.s32 $_scs_section_size  }
0xa0: {  	s6 =	simm.s32 $_size__tile_overlayer_lowered;
	s7 =	simm.s32 $_tile_overlayer_lowered  }
0xa1: {  	s22 =	simm.s32 $0x1BFF;
	s21 =	sshll.u32 s7, $0x1;
	s4 =	sadd.s32 s5, s19  }
0xa2: {  	s8 =	simm.s32 $0x0;
	s20 =	sshll.u32 s6, $0x1;
	s6 =	sadd.s32 s21, s4  }
0xa3: {  	[timem:s8], [sflag:s22] =	dma.local [hbm:s6], s20  }
0xa4: {  	_ =	swait.ge [sflag:s22], s20  }
0xa5: {  	s5 =	ssub.s32 $0x0, s20;
	[sflag:s22] =	ssyncset.done $0x0  }
0xa6: {  	[sflag:s22] =	ssyncadd.s32 s5;
	_ =	sdelay $0x1  }
0xa7: {  	s23 =	simm.s32 $0x1B8B  }
0xa8: {  	_ =	swait.ge [sflag:s23], $0x1  }
0xa9: {  	[sflag:s23] =	ssyncset.done $0x0  }
0xaa: {  	s25 =	simm.s32 $0x1B8E;
	s24 =	sld [smem:$0x3FFE];
	[sflag:s23] =	ssyncadd.s32 $0xFFFFFFFF  }
0xab: {  	s26 =	simm.s32 $execute0_lowered;
	[smem:$0x3FD2] =	sst s25  }
0xac: {  	s6 =	sshll.u32 s26, $0x1;
	_ =	strace $0x80000049;
	[dreg:$0x1] =	wrdreg $0xFFFFFFFF  }
0xad: {  	s28 =	simm.s32 $_size_execute0_lowered;
	s4 =	sadd.s32 s4, s6;
	[dreg:$0x0] =	wrdreg $0x0  }
0xae: {  	s6 =	sshll.u32 s28, $0x1;
	[dreg:$0x2] =	wrdreg s4  }
0xaf: {  	[dreg:$0x3] =	wrdreg s6  }
0xb0: {  	[dreg:$0x4] =	wrdreg $0xC0  }
0xb1: {  	_ =	task [dreg:s8], $0x5FFFF  }
0xb2: {  	[dreg:$0x1] =	wrdreg $0xFFFFFFFF  }
0xb3: {  	[dreg:$0x0] =	wrdreg $0x60  }
0xb4: {  	[dreg:$0x2] =	wrdreg s24  }
0xb5: {  	[dreg:$0x3] =	wrdreg s16  }
0xb6: {  	[dreg:$0x4] =	wrdreg s17  }
0xb7: {  	[dreg:$0x5] =	wrdreg $0xA8000  }
0xb8: {  	[dreg:$0x6] =	wrdreg $0x9  }
0xb9: {  	_ =	task.clear_ibuf [dreg:s8], $0x7FFFF;
	_ =	strace $0x90000049  }
0xba: {  	s29 =	simm.s32 $0x9;
	_ =	strace $0x8000004B  }
0xbb: {  	_ =	swait.ge [sflag:s29], $0x1  }
0xbc: {  	[sflag:s29] =	ssyncadd.s32 $0xFFFFFFFF  }
0xbd: {  	_ =	strace $0x9000004B  }
0xbe: {  	_ =	sfence  }
0xbf: {  	s30 =	sld [smem:$0x0];
	_ =	sdelay $0x2  }
0xc0: {  	s31 =	sshll.u32 s1, $0xD;
	s1 =	sshrl.u32 s1, $0x2  }
0xc1: {  	s3 =	sand.u32 $0x4000, s31;
	s1 =	sadd.s32 s1, s30  }
0xc2: {  	s0 =	sor.u32 s3, s0;
	s1 =	sshll.u32 s1, $0x11  }
0xc3: {  	s0 =	sor.u32 s1, s0  }
0xc4: {  	s0 =	sadd.s32 $0x8F2B, s0  }
0xc5: {  	[sflag:s0] =	ssyncadd.remote.s32 $0x1  }
0xc6: {  	_ =	sfence.sel $0xFFFF  }
0xc7: {  	[dreg:$0x0] =	wrdreg $0xFFFFFFFF;
	(pc) =	sbr.abs _section_cstart, $3  }
0xc8: {  	[dreg:$0x1] =	wrdreg $0xFFFFFFFF  }
0xc9: {  	_ =	task.clear_ibuf [dreg:s8], $0x2FFFF;
	_ =	strace $0x9FFFFFFF  }
0xca: {  	(tm) =	ssettm $0x7FFFFFFF  }
0xcb: {  	_ =	shalt  }
tec
execute0_lowered:
.L_overlay_start_1:
0x0: {  	(tag) =	ssettag $0x1  }
0x1: {  	s0 =	rddreg [dreg:$0x0]  }
0x2: {  	s3 =	rddreg [dreg:$0x1]  }
0x3: {  	s8 =	rddreg [dreg:$0x2]  }
0x4: {  	s1 =	rddreg [dreg:$0x3];
	s2 =	simm.s32 $0x0;
	s5 =	srdreg.scid  }
0x5: {  	s21 =	stileid.u32;
	s13 =	simm.s32 $0x40;
	s14 =	simm.s32 $0x2800  }
0x6: {  	s15 =	simm.s32 $0x80;
	s16 =	simm.s32 $0x4800;
	s17 =	simm.s32 $0x100  }
0x7: {  	s18 =	simm.s32 $0x6800;
	s19 =	simm.s32 $0x180;
	s20 =	simm.s32 $0x8800  }
0x8: {  	s28 =	simm.s32 $0x2680;
	s29 =	simm.s32 $0x2700;
	s30 =	simm.s32 $0x2780  }
0x9: {  	[smem:$0x7FF] =	sst s2;
	s4 =	sadd.s32 $0x5E00, s0;
	s6 =	sand.u32 $0x1, s5  }
0xa: {  	s7 =	sadd.s32 $0x3600, s0;
	s9 =	sshll.u32 s21, $0x1;
	s23 =	smul.u32 $0x50000, s21  }
0xb: {  	s26 =	sshll.u32 s21, $0x6;
	s31 =	smul.u32 $0x2800, s21;
	s21 =	simm.s32 $0x1  }
0xc: {  	_ =	strace $0x8000004A;
	[dreg:$0x5] =	wrdreg s7;
	s10 =	ssub.s32 $0x2, s6  }
0xd: {  	s22 =	smul.u32 $0x28000, s6;
	s6 =	sor.u32 s6, s9;
	s24 =	sshrl.u32 s10, $0x1  }
0xe: {  	s11 =	smul.u32 $0xA00, s6;
	s25 =	sshrl.u32 s23, $0x2;
	s6 =	sor.u32 $0x1C05, s26  }
0xf: {  	s23 =	simm.s32 $0x3;
	s26 =	simm.s32 $0x2600;
	s0 =	sadd.s32 s22, s0  }
0x10: {  	s10 =	ssub.s32 s10, s24;
	s12 =	sadd.s32 s25, s1;
	s22 =	simm.s32 $0x2  }
0x11: {  	s25 =	simm.s32 $0x4;
	s7 =	sadd.s32 s3, s11;
	s8 =	sadd.s32 s8, s11  }
0x12: {  	s0 =	sadd.s32 $0x7DE00, s0;
	s9 =	smax.u32 s10, $0x1;
	s10 =	sshrl.u32 s12, $0x3  }
0x13: {  	s11 =	simm.s32 $0x5;
	s12 =	simm.s32 $0x1400;
	s24 =	sadd.s32 s31, s0  }
.LBB2_1:
0x14: {  	s0 =	rddreg [dreg:$0x5]  }
0x15: {  	[spmem:s10], [sflag:s6] =	dma.local [hbm:s0], $0x2800  }
0x16: {  	_ =	swait.ge [sflag:s11], $0x2800  }
0x17: {  	[sflag:s11] =	ssyncset.done $0x0  }
0x18: {  	[sflag:s11] =	ssyncadd.s32 $0xFFFFD800  }
0x19: {  	s31 =	simm.s32 $0x0;
	[bflag:$0x0] =	sbarrier.arrive $0xFFFF  }
.LBB2_2:
0x1a: {  	s0 =	smul.u32 $0x280, s31;
	_ =	sdelay $0x1  }
0x1b: {  	s5 =	simm.s32 $0x0;
	s3 =	sadd.s32 s0, s7  }
0x1c: {  	[tilespmem:s5], [sflag:$0x5] =	stream.linear.gather [hbm4b:s3+s5], $0x1400, $0x38;
	[tilespmem:$0x1E800] =	vst v63  }
0x1d: {  	_ =	swait.ge [sflag:s11], $0x1400  }
0x1e: {  	[sflag:s11] =	ssyncset.done $0x0  }
0x1f: {  	s0 =	sadd.s32 s0, s8;
	[sflag:s11] =	ssyncadd.s32 $0xFFFFEC00  }
0x20: {  	[tilespmem:s12], [sflag:$0x5] =	stream.linear.gather [hbm4b:s0+s5], $0x1400, $0x38;
	[tilespmem:$0x1E800] =	vst v63  }
0x21: {  	_ =	swait.ge [sflag:s11], $0x1400  }
0x22: {  	[sflag:s11] =	ssyncset.done $0x0  }
0x23: {  	[sflag:s11] =	ssyncadd.s32 $0xFFFFEC00  }
0x24: {  	[tilespmem:s14], [sflag:$0x1] =	stream.indirect.gather [hbm4b:s4+s13], $0x80, s5, s13, $0xb8;
	[tilespmem:$0x1E800] =	vst v63  }
0x25: {  	_ = 	snop  }
0x26: {  	[tilespmem:s16], [sflag:$0x2] =	stream.indirect.gather [hbm4b:s4+s13], $0x80, s15, s13, $0xb8;
	[tilespmem:$0x1E800] =	vst v63  }
0x27: {  	_ = 	snop  }
0x28: {  	[tilespmem:s18], [sflag:$0x3] =	stream.indirect.gather [hbm4b:s4+s13], $0x80, s17, s13, $0xb8;
	[tilespmem:$0x1E800] =	vst v63  }
0x29: {  	_ = 	snop  }
0x2a: {  	[tilespmem:s20], [sflag:$0x4] =	stream.indirect.gather [hbm4b:s4+s13], $0x80, s19, s13, $0xb8;
	[tilespmem:$0x1E800] =	vst v63  }
0x2b: {  	_ =	swait.ge [sflag:s21], $0x2000  }
0x2c: {  	[sflag:s21] =	ssyncset.done $0x0  }
0x2d: {  	s5 =	simm.s32 $0x1400;
	[sflag:s21] =	ssyncadd.s32 $0xFFFFE000  }
0x2e: {  	[spmem:s1] =	stream.indirect.scatter.add.f32 [tilespmem:s14], [sflag:$0x5], $0x80, s5, s13, $0xb8;
	[tilespmem:$0x1E800] =	vst v63  }
0x2f: {  	_ =	swait.ge [sflag:s11], $0x2000  }
0x30: {  	[sflag:s11] =	ssyncset.done $0x0  }
0x31: {  	s3 =	simm.s32 $0x200;
	[sflag:s11] =	ssyncadd.s32 $0xFFFFE000  }
0x32: {  	[tilespmem:s14], [sflag:$0x1] =	stream.indirect.gather [hbm4b:s4+s13], $0x80, s3, s13, $0xb8;
	[tilespmem:$0x1E800] =	vst v63  }
0x33: {  	_ =	swait.ge [sflag:s22], $0x2000  }
0x34: {  	[sflag:s22] =	ssyncset.done $0x0  }
0x35: {  	s5 =	simm.s32 $0x1480;
	[sflag:s22] =	ssyncadd.s32 $0xFFFFE000  }
0x36: {  	[spmem:s1] =	stream.indirect.scatter.add.f32 [tilespmem:s16], [sflag:$0x5], $0x80, s5, s13, $0xb8;
	[tilespmem:$0x1E800] =	vst v63  }
0x37: {  	_ =	swait.ge [sflag:s11], $0x2000  }
0x38: {  	[sflag:s11] =	ssyncset.done $0x0  }
0x39: {  	s3 =	simm.s32 $0x280;
	[sflag:s11] =	ssyncadd.s32 $0xFFFFE000  }
0x3a: {  	[tilespmem:s16], [sflag:$0x2] =	stream.indirect.gather [hbm4b:s4+s13], $0x80, s3, s13, $0xb8;
	[tilespmem:$0x1E800] =	vst v63  }
0x3b: {  	_ =	swait.ge [sflag:s23], $0x2000  }
0x3c: {  	[sflag:s23] =	ssyncset.done $0x0  }
0x3d: {  	s5 =	simm.s32 $0x1500;
	[sflag:s23] =	ssyncadd.s32 $0xFFFFE000  }
0x3e: {  	[spmem:s1] =	stream.indirect.scatter.add.f32 [tilespmem:s18], [sflag:$0x5], $0x80, s5, s13, $0xb8;
	[tilespmem:$0x1E800] =	vst v63  }
0x3f: {  	_ =	swait.ge [sflag:s11], $0x2000  }
0x40: {  	[sflag:s11] =	ssyncset.done $0x0  }
0x41: {  	s3 =	simm.s32 $0x300;
	[sflag:s11] =	ssyncadd.s32 $0xFFFFE000  }
0x42: {  	[tilespmem:s18], [sflag:$0x3] =	stream.indirect.gather [hbm4b:s4+s13], $0x80, s3, s13, $0xb8;
	[tilespmem:$0x1E800] =	vst v63  }
0x43: {  	_ =	swait.ge [sflag:s25], $0x2000  }
0x44: {  	[sflag:s25] =	ssyncset.done $0x0  }
0x45: {  	s5 =	simm.s32 $0x1580;
	[sflag:s25] =	ssyncadd.s32 $0xFFFFE000  }
0x46: {  	[spmem:s1] =	stream.indirect.scatter.add.f32 [tilespmem:s20], [sflag:$0x5], $0x80, s5, s13, $0xb8;
	[tilespmem:$0x1E800] =	vst v63  }
0x47: {  	_ =	swait.ge [sflag:s11], $0x2000  }
0x48: {  	[sflag:s11] =	ssyncset.done $0x0  }
0x49: {  	s0 =	simm.s32 $0x800;
	s3 =	simm.s32 $0x380;
	[sflag:s11] =	ssyncadd.s32 $0xFFFFE000  }
.LBB2_3:
0x4a: {  	[tilespmem:s20], [sflag:$0x4] =	stream.indirect.gather [hbm4b:s4+s13], $0x80, s3, s13, $0xb8;
	[tilespmem:$0x1E800] =	vst v63  }
0x4b: {  	s3 =	smov.u32 s0  }
0x4c: {  	p0 =	sne.s32 s0, $0x4000;
	s0 =	sadd.s32 $0x800, s0;
	_ =	swait.ge [sflag:s21], $0x2000  }
0x4d: {  	s3 =	sshra.s32 s3, $0x2;
	[sflag:s21] =	ssyncset.done $0x0  }
0x4e: {  	s5 =	sadd.s32 $0x1400, s3;
	[sflag:s21] =	ssyncadd.s32 $0xFFFFE000  }
0x4f: {  	[spmem:s1] =	stream.indirect.scatter.add.f32 [tilespmem:s14], [sflag:$0x5], $0x80, s5, s13, $0xb8;
	[tilespmem:$0x1E800] =	vst v63  }
0x50: {  	_ =	swait.ge [sflag:s11], $0x2000  }
0x51: {  	[sflag:s11] =	ssyncset.done $0x0  }
0x52: {  	s5 =	sadd.s32 $0x200, s3;
	[sflag:s11] =	ssyncadd.s32 $0xFFFFE000  }
0x53: {  	[tilespmem:s14], [sflag:$0x1] =	stream.indirect.gather [hbm4b:s4+s13], $0x80, s5, s13, $0xb8;
	[tilespmem:$0x1E800] =	vst v63  }
0x54: {  	_ =	swait.ge [sflag:s22], $0x2000  }
0x55: {  	[sflag:s22] =	ssyncset.done $0x0  }
0x56: {  	s5 =	sadd.s32 $0x1480, s3;
	[sflag:s22] =	ssyncadd.s32 $0xFFFFE000  }
0x57: {  	[spmem:s1] =	stream.indirect.scatter.add.f32 [tilespmem:s16], [sflag:$0x5], $0x80, s5, s13, $0xb8;
	[tilespmem:$0x1E800] =	vst v63  }
0x58: {  	_ =	swait.ge [sflag:s11], $0x2000  }
0x59: {  	[sflag:s11] =	ssyncset.done $0x0  }
0x5a: {  	s5 =	sadd.s32 $0x280, s3;
	[sflag:s11] =	ssyncadd.s32 $0xFFFFE000  }
0x5b: {  	[tilespmem:s16], [sflag:$0x2] =	stream.indirect.gather [hbm4b:s4+s13], $0x80, s5, s13, $0xb8;
	[tilespmem:$0x1E800] =	vst v63  }
0x5c: {  	_ =	swait.ge [sflag:s23], $0x2000  }
0x5d: {  	[sflag:s23] =	ssyncset.done $0x0  }
0x5e: {  	s5 =	sadd.s32 $0x1500, s3;
	[sflag:s23] =	ssyncadd.s32 $0xFFFFE000  }
0x5f: {  	[spmem:s1] =	stream.indirect.scatter.add.f32 [tilespmem:s18], [sflag:$0x5], $0x80, s5, s13, $0xb8;
	[tilespmem:$0x1E800] =	vst v63  }
0x60: {  	_ =	swait.ge [sflag:s11], $0x2000  }
0x61: {  	[sflag:s11] =	ssyncset.done $0x0  }
0x62: {  	s5 =	sadd.s32 $0x300, s3;
	[sflag:s11] =	ssyncadd.s32 $0xFFFFE000  }
0x63: {  	[tilespmem:s18], [sflag:$0x3] =	stream.indirect.gather [hbm4b:s4+s13], $0x80, s5, s13, $0xb8;
	[tilespmem:$0x1E800] =	vst v63  }
0x64: {  	_ =	swait.ge [sflag:s25], $0x2000  }
0x65: {  	[sflag:s25] =	ssyncset.done $0x0  }
.Ltmp0:
0x66: {  	s5 =	sadd.s32 $0x1580, s3;
	[sflag:s25] =	ssyncadd.s32 $0xFFFFE000;
	(pc) =	sbr.rel @p0 .LBB2_3-.Ltmp0, $4  }
0x67: {  	[spmem:s1] =	stream.indirect.scatter.add.f32 [tilespmem:s20], [sflag:$0x5], $0x80, s5, s13, $0xb8;
	[tilespmem:$0x1E800] =	vst v63  }
0x68: {  	_ =	swait.ge [sflag:s11], $0x2000  }
0x69: {  	[sflag:s11] =	ssyncset.done $0x0  }
0x6a: {  	s3 =	sadd.s32 $0x380, s3;
	[sflag:s11] =	ssyncadd.s32 $0xFFFFE000  }
0x6b: {  	[tilespmem:s20], [sflag:$0x4] =	stream.indirect.gather [hbm4b:s4+s13], $0x80, s3, s13, $0xb8;
	[tilespmem:$0x1E800] =	vst v63  }
0x6c: {  	_ =	swait.ge [sflag:s21], $0x2000  }
0x6d: {  	[sflag:s21] =	ssyncset.done $0x0  }
0x6e: {  	[sflag:s21] =	ssyncadd.s32 $0xFFFFE000  }
0x6f: {  	[spmem:s1] =	stream.indirect.scatter.add.f32 [tilespmem:s14], [sflag:$0x5], $0x80, s26, s13, $0xb8;
	[tilespmem:$0x1E800] =	vst v63  }
0x70: {  	_ =	swait.ge [sflag:s11], $0x2000  }
0x71: {  	[sflag:s11] =	ssyncset.done $0x0  }
0x72: {  	[sflag:s11] =	ssyncadd.s32 $0xFFFFE000  }
0x73: {  	_ =	swait.ge [sflag:s22], $0x2000  }
0x74: {  	[sflag:s22] =	ssyncset.done $0x0  }
0x75: {  	[sflag:s22] =	ssyncadd.s32 $0xFFFFE000  }
0x76: {  	[spmem:s1] =	stream.indirect.scatter.add.f32 [tilespmem:s16], [sflag:$0x5], $0x80, s28, s13, $0xb8;
	[tilespmem:$0x1E800] =	vst v63  }
0x77: {  	_ =	swait.ge [sflag:s11], $0x2000  }
0x78: {  	[sflag:s11] =	ssyncset.done $0x0  }
0x79: {  	[sflag:s11] =	ssyncadd.s32 $0xFFFFE000  }
0x7a: {  	_ =	swait.ge [sflag:s23], $0x2000  }
0x7b: {  	[sflag:s23] =	ssyncset.done $0x0  }
0x7c: {  	[sflag:s23] =	ssyncadd.s32 $0xFFFFE000  }
0x7d: {  	[spmem:s1] =	stream.indirect.scatter.add.f32 [tilespmem:s18], [sflag:$0x5], $0x80, s29, s13, $0xb8;
	[tilespmem:$0x1E800] =	vst v63  }
0x7e: {  	_ =	swait.ge [sflag:s11], $0x2000  }
0x7f: {  	[sflag:s11] =	ssyncset.done $0x0  }
0x80: {  	[sflag:s11] =	ssyncadd.s32 $0xFFFFE000  }
0x81: {  	s31 =	sadd.s32 $0x1, s31;
	_ =	swait.ge [sflag:s25], $0x2000  }
0x82: {  	p0 =	sne.s32 s31, $0x4;
	[sflag:s25] =	ssyncset.done $0x0  }
.Ltmp1:
0x83: {  	[sflag:s25] =	ssyncadd.s32 $0xFFFFE000;
	(pc) =	sbr.rel @p0 .LBB2_2-.Ltmp1, $4  }
0x84: {  	[spmem:s1] =	stream.indirect.scatter.add.f32 [tilespmem:s20], [sflag:$0x5], $0x80, s30, s13, $0xb8;
	[tilespmem:$0x1E800] =	vst v63  }
0x85: {  	_ =	swait.ge [sflag:s11], $0x2000  }
0x86: {  	[sflag:s11] =	ssyncset.done $0x0  }
0x87: {  	[sflag:s11] =	ssyncadd.s32 $0xFFFFE000  }
0x88: {  	s2 =	sadd.s32 $0x1, s2  }
0x89: {  	p0 =	sne.s32 s2, s9  }
.Ltmp2:
0x8a: {  	[bflag:$0x0] =	sbarrier.arrive $0xFFFF;
	(pc) =	sbr.rel @p0 .LBB2_1-.Ltmp2, $4  }
0x8b: {  	[hbm:s24], [sflag:s6] =	dma.local [spmem:s10], $0x2800  }
0x8c: {  	_ =	swait.ge [sflag:s11], $0x2800  }
0x8d: {  	[sflag:s11] =	ssyncset.done $0x0  }
0x8e: {  	[sflag:s11] =	ssyncadd.s32 $0xFFFFD800  }
0x8f: {  	_ =	sfence.sel $0x180000  }
0x90: {  	[bflag:$0x0] =	sbarrier.arrive $0xFFFF  }
0x91: {  	_ =	strace $0x9000004A  }
0x92: {  	s0 =	stileid.u32;
	[bflag:$0x2] =	sbarrier.arrive $0xFFFF  }
0x93: {  	p0 =	sne.s32 s0, $0x0;
	s0 =	rddreg [dreg:$0x4]  }
0x94: {  	s0 =	sadd.s32 @!p0 $0x100000, s0  }
0x95: {  	[sflag:s0] =	ssyncadd.tile.s32 @!p0 $0x1;
	_ =	shalt  }
.Lfunc_end2:
_tile_overlayer_lowered:
.L_overlay_start_2:
0x96: {  	(tag) =	ssettag $0x2  }
0x97: {  	s0 =	rddreg [dreg:$0x0];
	s2 =	stileid.u32  }
0x98: {  	s1 =	rddreg [dreg:$0x1];
	p0 =	sne.s32 s2, $0x0  }
0x99: {  	s3 =	rddreg [dreg:$0x2];
	[bflag:$0x3] =	sbarrier.arrive $0xFFFF;
	s2 =	simm.s32 @!p0 $0x1C05  }
0x9a: {  	[timem:s3], [sflag:s2] =	dma.local @!p0 [hbm:s0], s1  }
0x9b: {  	s0 =	simm.s32 @!p0 $0x5  }
0x9c: {  	_ =	swait.ge @!p0 [sflag:s0], s1  }
0x9d: {  	s1 =	ssub.s32 @!p0 $0x0, s1;
	[sflag:s0] =	ssyncset.done @!p0 $0x0  }
0x9e: {  	[sflag:s0] =	ssyncadd.s32 @!p0 s1  }
0x9f: {  	[bflag:$0x3] =	sbarrier.arrive $0xFFFF  }
0xa0: {  	_ =	shalt  }

// kernel: kernel.14.cloned.1.call-start
scs
__scs_entry_jumppad:
0x0: {  	(pc) =	sbr.rel $0x88, $3  }
0x1: {  	(tag) =	ssettag $0x0;
	lr =	simm.s32 $0x1  }
0x2: {  	[smem:$0x3F99] =	sst lr;
	_ =	strace $0xD0000000  }
0x3: {  	_ = 	snop  }
0x4: {  	_ = 	snop  }
0x5: {  	_ = 	snop  }
0x6: {  	_ = 	snop  }
0x7: {  	_ = 	snop  }
__scs_overlays_trampoline_lowered:
0x8: {  	[smem:$0x3FA8] =	sst s0  }
0x9: {  	[smem:$0x3FA9] =	sst s1  }
0xa: {  	[smem:$0x3FAA] =	sst s2  }
0xb: {  	[smem:$0x3FAB] =	sst s3  }
0xc: {  	[smem:$0x3FAC] =	sst s4  }
0xd: {  	[smem:$0x3FAD] =	sst s5  }
0xe: {  	[smem:$0x3FAE] =	sst s6  }
0xf: {  	[smem:$0x3FAF] =	sst s7  }
0x10: {  	[smem:$0x3FB0] =	sst s8  }
0x11: {  	[smem:$0x3FB1] =	sst s9;
	s0 =	simm.s32 @!p0 $0x0  }
0x12: {  	s1 =	sld [smem:$0x3F97];
	s0 =	simm.s32 @p0 $0x1  }
0x13: {  	[smem:$0x3FB2] =	sst s0;
	s0 =	simm.s32 @!p1 $0x0  }
0x14: {  	s2 =	sld [smem:$0x3F96];
	s0 =	simm.s32 @p1 $0x1  }
0x15: {  	[smem:$0x3FB3] =	sst s0;
	s0 =	simm.s32 @!p2 $0x0  }
0x16: {  	s3 =	sld [smem:$0x3FDB];
	s0 =	simm.s32 @p2 $0x1  }
0x17: {  	s4 =	simm.s32 $0x1BF5;
	[smem:$0x3FB5] =	sst s0  }
0x18: {  	s0 =	sld [smem:$0x3F98];
	_ =	swait.ge [sflag:s4], $0x0  }
0x19: {  	s7 =	sld [smem:$0x3F99]  }
0x1a: {  	s8 =	sadd.s32 $0xFFFFE003, lr  }
0x1b: {  	s9 =	sadd.s32 $0xFFFFFEF7, lr;
	s5 =	simm.s32 $0xFFFFFFFF;
	p2 =	slt.u32 s8, $0xFFFFF086  }
0x1c: {  	p1 =	slt.u32 s9, $0xF7A;
	s5 =	simm.s32 @!p2 $0x0  }
0x1d: {  	s5 =	simm.s32 @p1 $0x1;
	p0 =	seq.s32 s7, s2  }
0x1e: {  	s7 =	smul.u32 @!p0 $0xF7A, s2;
	p2 =	seq.s32 @!p0 s5, $0x0  }
0x1f: {  	s9 =	smul.u32 $0xF7A, s1;
	s8 =	simm.s32 @!p0 $0x1BF5;
	p2 =	por !p2, p0  }
0x20: {  	[sflag:s8] =	ssyncset.s32 @!p0 $0xFFFFF086;
	s6 =	sadd.s32 @!p0 s3, s7;
	s7 =	simm.s32 @!p0 $0x108  }
0x21: {  	s3 =	sadd.s32 s3, s9;
	s6 =	sadd.s32 @!p0 $0x88, s6;
	s7 =	simm.s32 @p2 $0x1082  }
0x22: {  	[simem:s7], [sflag:s8] =	dma.local @!p0 [hbm:s6], $0xF7A  }
0x23: {  	s9 =	sor.u32 $0xD0000000, s2;
	s6 =	simm.s32 $0x108;
	_ =	swait.ge @!p0 [sflag:s8], $0x0  }
0x24: {  	s3 =	sadd.s32 $0x88, s3;
	s6 =	simm.s32 @!p1 $0x1082;
	[sflag:s4] =	ssyncset.s32 $0xFFFFF086  }
0x25: {  	[simem:s6], [sflag:s4] =	dma.local [hbm:s3], $0xF7A  }
0x26: {  	[smem:$0x3F99] =	sst s1;
	(tag) =	ssettag s2;
	_ =	strace s9  }
0x27: {  	s1 =	sld [smem:$0x3FA9]  }
0x28: {  	s2 =	sld [smem:$0x3FAA]  }
0x29: {  	s4 =	sld [smem:$0x3FAC]  }
0x2a: {  	p0 =	seq.s32 s5, $0x0;
	s5 =	sld [smem:$0x3FAD]  }
0x2b: {  	s6 =	sld [smem:$0x3FAE]  }
0x2c: {  	s7 =	sld [smem:$0x3FAF]  }
0x2d: {  	s3 =	simm.s32 $0x108;
	s8 =	sld [smem:$0x3FB0]  }
0x2e: {  	s3 =	simm.s32 @!p0 $0x1082;
	s9 =	sld [smem:$0x3FB1]  }
0x2f: {  	lr =	sadd.s32 s0, s3;
	s0 =	sld [smem:$0x3FA8]  }
0x30: {  	s3 =	sld [smem:$0x3FAB]  }
0x31: {  	[smem:$0x3FB4] =	sst s10  }
0x32: {  	s10 =	sld [smem:$0x3FB2];
	_ =	sdelay $0x3  }
0x33: {  	p0 =	seq.s32 s10, $0x1;
	s10 =	sld [smem:$0x3FB4];
	_ =	sdelay $0x3  }
0x34: {  	[smem:$0x3FB4] =	sst s10  }
0x35: {  	s10 =	sld [smem:$0x3FB3];
	_ =	sdelay $0x3  }
0x36: {  	p1 =	seq.s32 s10, $0x1;
	s10 =	sld [smem:$0x3FB4];
	_ =	sdelay $0x3  }
0x37: {  	[smem:$0x3FB4] =	sst s10  }
0x38: {  	s10 =	sld [smem:$0x3FB5]  }
0x39: {  	_ = 	snop;
	(pc) =	sbr.ind lr, $3  }
0x3a: {  	_ = 	snop  }
0x3b: {  	_ = 	snop  }
0x3c: {  	p2 =	seq.s32 s10, $0x1;
	s10 =	sld [smem:$0x3FB4]  }
0x3d: {  	_ =	shalt  }
0x3e: {  	_ =	shalt  }
0x3f: {  	_ =	shalt  }
0x40: {  	_ =	shalt  }
0x41: {  	_ =	shalt  }
0x42: {  	_ =	shalt  }
0x43: {  	_ =	shalt  }
0x44: {  	_ =	shalt  }
0x45: {  	_ =	shalt  }
0x46: {  	_ =	shalt  }
0x47: {  	_ =	shalt  }
0x48: {  	_ =	shalt  }
0x49: {  	_ =	shalt  }
0x4a: {  	_ =	shalt  }
0x4b: {  	_ =	shalt  }
0x4c: {  	_ =	shalt  }
0x4d: {  	_ =	shalt  }
0x4e: {  	_ =	shalt  }
0x4f: {  	_ =	shalt  }
0x50: {  	_ =	shalt  }
0x51: {  	_ =	shalt  }
0x52: {  	_ =	shalt  }
0x53: {  	_ =	shalt  }
0x54: {  	_ =	shalt  }
0x55: {  	_ =	shalt  }
0x56: {  	_ =	shalt  }
0x57: {  	_ =	shalt  }
0x58: {  	_ =	shalt  }
0x59: {  	_ =	shalt  }
0x5a: {  	_ =	shalt  }
0x5b: {  	_ =	shalt  }
0x5c: {  	_ =	shalt  }
0x5d: {  	_ =	shalt  }
0x5e: {  	_ =	shalt  }
0x5f: {  	_ =	shalt  }
0x60: {  	_ =	shalt  }
0x61: {  	_ =	shalt  }
0x62: {  	_ =	shalt  }
0x63: {  	_ =	shalt  }
0x64: {  	_ =	shalt  }
0x65: {  	_ =	shalt  }
0x66: {  	_ =	shalt  }
0x67: {  	_ =	shalt  }
0x68: {  	_ =	shalt  }
0x69: {  	_ =	shalt  }
0x6a: {  	_ =	shalt  }
0x6b: {  	_ =	shalt  }
0x6c: {  	_ =	shalt  }
0x6d: {  	_ =	shalt  }
0x6e: {  	_ =	shalt  }
0x6f: {  	_ =	shalt  }
0x70: {  	_ =	shalt  }
0x71: {  	_ =	shalt  }
0x72: {  	_ =	shalt  }
0x73: {  	_ =	shalt  }
0x74: {  	_ =	shalt  }
0x75: {  	_ =	shalt  }
0x76: {  	_ =	shalt  }
0x77: {  	_ =	shalt  }
0x78: {  	_ =	shalt  }
0x79: {  	_ =	shalt  }
0x7a: {  	_ =	shalt  }
0x7b: {  	_ =	shalt  }
0x7c: {  	_ =	shalt  }
0x7d: {  	_ =	shalt  }
0x7e: {  	_ =	shalt  }
0x7f: {  	_ =	shalt  }
0x80: {  	_ =	shalt  }
0x81: {  	_ =	shalt  }
0x82: {  	_ =	shalt  }
0x83: {  	_ =	shalt  }
0x84: {  	_ =	shalt  }
0x85: {  	_ =	shalt  }
0x86: {  	_ =	shalt  }
0x87: {  	_ =	shalt  }
.Lfunc_end0:
.L_simem_size_0:
called_computation.2_lowered:
.L_overlay_start_0:
0x88: {  	s2 =	sld [smem:$0x3FD9]  }
0x89: {  	s3 =	sld [smem:$0x3FFE];
	_ =	sdelay $0x1  }
0x8a: {  	s1 =	srdreg.scid  }
0x8b: {  	s0 =	sand.u32 $0x1, s1  }
0x8c: {  	s14 =	sshll.u32 s0, $0xA;
	s2 =	sadd.s32 s3, s2  }
0x8d: {  	s2 =	sadd.s32 s2, s14  }
0x8e: {  	[smem:$0x3FC0] =	sst s2  }
0x8f: {  	_ = 	snop  }
0x90: {  	s2 =	sld [smem:$0x3FD0];
	_ =	sdelay $0x2  }
0x91: {  	s15 =	simm.s32 $0xA;
	s4 =	simm.s32 $0x10  }
0x92: {  	[smem:s4], [sflag:s15] =	dma.local [hbm:s2], $0x1  }
0x93: {  	_ =	swait.eq [sflag:s15], $0x1  }
0x94: {  	[sflag:s15] =	ssyncset.done $0x0  }
0x95: {  	s16 =	sld [smem:$0x10];
	[sflag:s15] =	ssyncadd.s32 $0xFFFFFFFF  }
0x96: {  	s17 =	sld [smem:$0x11];
	(tm) =	ssettm $0x1  }
0x97: {  	s18 =	sld [smem:$0x3FFB];
	_ =	sdelay $0x3  }
0x98: {  	_ =	strace s18  }
0x99: {  	s4 =	sld [smem:$0x3FFC];
	_ =	sdelay $0x3  }
0x9a: {  	_ =	strace s4  }
0x9b: {  	s4 =	sld [smem:$0x3FFD];
	_ =	sdelay $0x3  }
0x9c: {  	_ =	strace s4  }
0x9d: {  	_ =	strace $0x8FFFFFFF  }
0x9e: {  	s19 =	sld [smem:$0x3FDB];
	_ =	sdelay $0x1  }
0x9f: {  	s5 =	simm.s32 $_scs_section_size  }
0xa0: {  	s6 =	simm.s32 $_size__tile_overlayer_lowered;
	s7 =	simm.s32 $_tile_overlayer_lowered  }
0xa1: {  	s22 =	simm.s32 $0x1BFF;
	s21 =	sshll.u32 s7, $0x1;
	s4 =	sadd.s32 s5, s19  }
0xa2: {  	s8 =	simm.s32 $0x0;
	s20 =	sshll.u32 s6, $0x1;
	s6 =	sadd.s32 s21, s4  }
0xa3: {  	[timem:s8], [sflag:s22] =	dma.local [hbm:s6], s20  }
0xa4: {  	_ =	swait.ge [sflag:s22], s20  }
0xa5: {  	s5 =	ssub.s32 $0x0, s20;
	[sflag:s22] =	ssyncset.done $0x0  }
0xa6: {  	[sflag:s22] =	ssyncadd.s32 s5;
	_ =	sdelay $0x1  }
0xa7: {  	s23 =	simm.s32 $0x1B8B  }
0xa8: {  	_ =	swait.ge [sflag:s23], $0x1  }
0xa9: {  	[sflag:s23] =	ssyncset.done $0x0  }
0xaa: {  	s25 =	simm.s32 $0x1B8E;
	s24 =	sld [smem:$0x3FFE];
	[sflag:s23] =	ssyncadd.s32 $0xFFFFFFFF  }
0xab: {  	s26 =	simm.s32 $execute0_lowered;
	[smem:$0x3FD2] =	sst s25  }
0xac: {  	s6 =	sshll.u32 s26, $0x1;
	_ =	strace $0x8000004C;
	[dreg:$0x1] =	wrdreg $0xFFFFFFFF  }
0xad: {  	s28 =	simm.s32 $_size_execute0_lowered;
	s4 =	sadd.s32 s4, s6;
	[dreg:$0x0] =	wrdreg $0x0  }
0xae: {  	s6 =	sshll.u32 s28, $0x1;
	[dreg:$0x2] =	wrdreg s4  }
0xaf: {  	[dreg:$0x3] =	wrdreg s6  }
0xb0: {  	[dreg:$0x4] =	wrdreg $0xC0  }
0xb1: {  	_ =	task [dreg:s8], $0x5FFFF  }
0xb2: {  	[dreg:$0x1] =	wrdreg $0xFFFFFFFF  }
0xb3: {  	[dreg:$0x0] =	wrdreg $0x60  }
0xb4: {  	[dreg:$0x2] =	wrdreg s24  }
0xb5: {  	[dreg:$0x3] =	wrdreg s16  }
0xb6: {  	[dreg:$0x4] =	wrdreg s17  }
0xb7: {  	[dreg:$0x5] =	wrdreg $0xA8000  }
0xb8: {  	[dreg:$0x6] =	wrdreg $0x9  }
0xb9: {  	_ =	task.clear_ibuf [dreg:s8], $0x7FFFF;
	_ =	strace $0x9000004C  }
0xba: {  	s29 =	simm.s32 $0x9;
	_ =	strace $0x8000004E  }
0xbb: {  	_ =	swait.ge [sflag:s29], $0x1  }
0xbc: {  	[sflag:s29] =	ssyncadd.s32 $0xFFFFFFFF  }
0xbd: {  	_ =	strace $0x9000004E  }
0xbe: {  	_ =	sfence  }
0xbf: {  	s30 =	sld [smem:$0x0];
	_ =	sdelay $0x2  }
0xc0: {  	s31 =	sshll.u32 s1, $0xD;
	s1 =	sshrl.u32 s1, $0x2  }
0xc1: {  	s3 =	sand.u32 $0x4000, s31;
	s1 =	sadd.s32 s1, s30  }
0xc2: {  	s0 =	sor.u32 s3, s0;
	s1 =	sshll.u32 s1, $0x11  }
0xc3: {  	s0 =	sor.u32 s1, s0  }
0xc4: {  	s0 =	sadd.s32 $0x8F2B, s0  }
0xc5: {  	[sflag:s0] =	ssyncadd.remote.s32 $0x1  }
0xc6: {  	_ =	sfence.sel $0xFFFF  }
0xc7: {  	[dreg:$0x0] =	wrdreg $0xFFFFFFFF;
	(pc) =	sbr.abs _section_cstart, $3  }
0xc8: {  	[dreg:$0x1] =	wrdreg $0xFFFFFFFF  }
0xc9: {  	_ =	task.clear_ibuf [dreg:s8], $0x2FFFF;
	_ =	strace $0x9FFFFFFF  }
0xca: {  	(tm) =	ssettm $0x7FFFFFFF  }
0xcb: {  	_ =	shalt  }
tec
execute0_lowered:
.L_overlay_start_1:
0x0: {  	(tag) =	ssettag $0x1  }
0x1: {  	s0 =	rddreg [dreg:$0x0]  }
0x2: {  	s3 =	rddreg [dreg:$0x1]  }
0x3: {  	s8 =	rddreg [dreg:$0x2]  }
0x4: {  	s1 =	rddreg [dreg:$0x3];
	s2 =	simm.s32 $0x0;
	s5 =	srdreg.scid  }
0x5: {  	s21 =	stileid.u32;
	s13 =	simm.s32 $0x40;
	s14 =	simm.s32 $0x2800  }
0x6: {  	s15 =	simm.s32 $0x80;
	s16 =	simm.s32 $0x4800;
	s17 =	simm.s32 $0x100  }
0x7: {  	s18 =	simm.s32 $0x6800;
	s19 =	simm.s32 $0x180;
	s20 =	simm.s32 $0x8800  }
0x8: {  	s28 =	simm.s32 $0x2680;
	s29 =	simm.s32 $0x2700;
	s30 =	simm.s32 $0x2780  }
0x9: {  	[smem:$0x7FF] =	sst s2;
	s4 =	sadd.s32 $0x5E00, s0;
	s6 =	sand.u32 $0x1, s5  }
0xa: {  	s7 =	sadd.s32 $0x3600, s0;
	s9 =	sshll.u32 s21, $0x1;
	s23 =	smul.u32 $0x50000, s21  }
0xb: {  	s26 =	sshll.u32 s21, $0x6;
	s31 =	smul.u32 $0x2800, s21;
	s21 =	simm.s32 $0x1  }
0xc: {  	_ =	strace $0x8000004D;
	[dreg:$0x5] =	wrdreg s7;
	s10 =	ssub.s32 $0x2, s6  }
0xd: {  	s22 =	smul.u32 $0x28000, s6;
	s6 =	sor.u32 s6, s9;
	s24 =	sshrl.u32 s10, $0x1  }
0xe: {  	s11 =	smul.u32 $0xA00, s6;
	s25 =	sshrl.u32 s23, $0x2;
	s6 =	sor.u32 $0x1C05, s26  }
0xf: {  	s23 =	simm.s32 $0x3;
	s26 =	simm.s32 $0x2600;
	s0 =	sadd.s32 s22, s0  }
0x10: {  	s10 =	ssub.s32 s10, s24;
	s12 =	sadd.s32 s25, s1;
	s22 =	simm.s32 $0x2  }
0x11: {  	s25 =	simm.s32 $0x4;
	s7 =	sadd.s32 s3, s11;
	s8 =	sadd.s32 s8, s11  }
0x12: {  	s0 =	sadd.s32 $0x55E00, s0;
	s9 =	smax.u32 s10, $0x1;
	s10 =	sshrl.u32 s12, $0x3  }
0x13: {  	s11 =	simm.s32 $0x5;
	s12 =	simm.s32 $0x1400;
	s24 =	sadd.s32 s31, s0  }
.LBB2_1:
0x14: {  	s0 =	rddreg [dreg:$0x5]  }
0x15: {  	[spmem:s10], [sflag:s6] =	dma.local [hbm:s0], $0x2800  }
0x16: {  	_ =	swait.ge [sflag:s11], $0x2800  }
0x17: {  	[sflag:s11] =	ssyncset.done $0x0  }
0x18: {  	[sflag:s11] =	ssyncadd.s32 $0xFFFFD800  }
0x19: {  	s31 =	simm.s32 $0x0;
	[bflag:$0x0] =	sbarrier.arrive $0xFFFF  }
.LBB2_2:
0x1a: {  	s0 =	smul.u32 $0x280, s31;
	_ =	sdelay $0x1  }
0x1b: {  	s5 =	simm.s32 $0x0;
	s3 =	sadd.s32 s0, s7  }
0x1c: {  	[tilespmem:s5], [sflag:$0x5] =	stream.linear.gather [hbm4b:s3+s5], $0x1400, $0x38;
	[tilespmem:$0x1E800] =	vst v63  }
0x1d: {  	_ =	swait.ge [sflag:s11], $0x1400  }
0x1e: {  	[sflag:s11] =	ssyncset.done $0x0  }
0x1f: {  	s0 =	sadd.s32 s0, s8;
	[sflag:s11] =	ssyncadd.s32 $0xFFFFEC00  }
0x20: {  	[tilespmem:s12], [sflag:$0x5] =	stream.linear.gather [hbm4b:s0+s5], $0x1400, $0x38;
	[tilespmem:$0x1E800] =	vst v63  }
0x21: {  	_ =	swait.ge [sflag:s11], $0x1400  }
0x22: {  	[sflag:s11] =	ssyncset.done $0x0  }
0x23: {  	[sflag:s11] =	ssyncadd.s32 $0xFFFFEC00  }
0x24: {  	[tilespmem:s14], [sflag:$0x1] =	stream.indirect.gather [hbm4b:s4+s13], $0x80, s5, s13, $0xb8;
	[tilespmem:$0x1E800] =	vst v63  }
0x25: {  	_ = 	snop  }
0x26: {  	[tilespmem:s16], [sflag:$0x2] =	stream.indirect.gather [hbm4b:s4+s13], $0x80, s15, s13, $0xb8;
	[tilespmem:$0x1E800] =	vst v63  }
0x27: {  	_ = 	snop  }
0x28: {  	[tilespmem:s18], [sflag:$0x3] =	stream.indirect.gather [hbm4b:s4+s13], $0x80, s17, s13, $0xb8;
	[tilespmem:$0x1E800] =	vst v63  }
0x29: {  	_ = 	snop  }
0x2a: {  	[tilespmem:s20], [sflag:$0x4] =	stream.indirect.gather [hbm4b:s4+s13], $0x80, s19, s13, $0xb8;
	[tilespmem:$0x1E800] =	vst v63  }
0x2b: {  	_ =	swait.ge [sflag:s21], $0x2000  }
0x2c: {  	[sflag:s21] =	ssyncset.done $0x0  }
0x2d: {  	s5 =	simm.s32 $0x1400;
	[sflag:s21] =	ssyncadd.s32 $0xFFFFE000  }
0x2e: {  	[spmem:s1] =	stream.indirect.scatter.add.f32 [tilespmem:s14], [sflag:$0x5], $0x80, s5, s13, $0xb8;
	[tilespmem:$0x1E800] =	vst v63  }
0x2f: {  	_ =	swait.ge [sflag:s11], $0x2000  }
0x30: {  	[sflag:s11] =	ssyncset.done $0x0  }
0x31: {  	s3 =	simm.s32 $0x200;
	[sflag:s11] =	ssyncadd.s32 $0xFFFFE000  }
0x32: {  	[tilespmem:s14], [sflag:$0x1] =	stream.indirect.gather [hbm4b:s4+s13], $0x80, s3, s13, $0xb8;
	[tilespmem:$0x1E800] =	vst v63  }
0x33: {  	_ =	swait.ge [sflag:s22], $0x2000  }
0x34: {  	[sflag:s22] =	ssyncset.done $0x0  }
0x35: {  	s5 =	simm.s32 $0x1480;
	[sflag:s22] =	ssyncadd.s32 $0xFFFFE000  }
0x36: {  	[spmem:s1] =	stream.indirect.scatter.add.f32 [tilespmem:s16], [sflag:$0x5], $0x80, s5, s13, $0xb8;
	[tilespmem:$0x1E800] =	vst v63  }
0x37: {  	_ =	swait.ge [sflag:s11], $0x2000  }
0x38: {  	[sflag:s11] =	ssyncset.done $0x0  }
0x39: {  	s3 =	simm.s32 $0x280;
	[sflag:s11] =	ssyncadd.s32 $0xFFFFE000  }
0x3a: {  	[tilespmem:s16], [sflag:$0x2] =	stream.indirect.gather [hbm4b:s4+s13], $0x80, s3, s13, $0xb8;
	[tilespmem:$0x1E800] =	vst v63  }
0x3b: {  	_ =	swait.ge [sflag:s23], $0x2000  }
0x3c: {  	[sflag:s23] =	ssyncset.done $0x0  }
0x3d: {  	s5 =	simm.s32 $0x1500;
	[sflag:s23] =	ssyncadd.s32 $0xFFFFE000  }
0x3e: {  	[spmem:s1] =	stream.indirect.scatter.add.f32 [tilespmem:s18], [sflag:$0x5], $0x80, s5, s13, $0xb8;
	[tilespmem:$0x1E800] =	vst v63  }
0x3f: {  	_ =	swait.ge [sflag:s11], $0x2000  }
0x40: {  	[sflag:s11] =	ssyncset.done $0x0  }
0x41: {  	s3 =	simm.s32 $0x300;
	[sflag:s11] =	ssyncadd.s32 $0xFFFFE000  }
0x42: {  	[tilespmem:s18], [sflag:$0x3] =	stream.indirect.gather [hbm4b:s4+s13], $0x80, s3, s13, $0xb8;
	[tilespmem:$0x1E800] =	vst v63  }
0x43: {  	_ =	swait.ge [sflag:s25], $0x2000  }
0x44: {  	[sflag:s25] =	ssyncset.done $0x0  }
0x45: {  	s5 =	simm.s32 $0x1580;
	[sflag:s25] =	ssyncadd.s32 $0xFFFFE000  }
0x46: {  	[spmem:s1] =	stream.indirect.scatter.add.f32 [tilespmem:s20], [sflag:$0x5], $0x80, s5, s13, $0xb8;
	[tilespmem:$0x1E800] =	vst v63  }
0x47: {  	_ =	swait.ge [sflag:s11], $0x2000  }
0x48: {  	[sflag:s11] =	ssyncset.done $0x0  }
0x49: {  	s0 =	simm.s32 $0x800;
	s3 =	simm.s32 $0x380;
	[sflag:s11] =	ssyncadd.s32 $0xFFFFE000  }
.LBB2_3:
0x4a: {  	[tilespmem:s20], [sflag:$0x4] =	stream.indirect.gather [hbm4b:s4+s13], $0x80, s3, s13, $0xb8;
	[tilespmem:$0x1E800] =	vst v63  }
0x4b: {  	s3 =	smov.u32 s0  }
0x4c: {  	p0 =	sne.s32 s0, $0x4000;
	s0 =	sadd.s32 $0x800, s0;
	_ =	swait.ge [sflag:s21], $0x2000  }
0x4d: {  	s3 =	sshra.s32 s3, $0x2;
	[sflag:s21] =	ssyncset.done $0x0  }
0x4e: {  	s5 =	sadd.s32 $0x1400, s3;
	[sflag:s21] =	ssyncadd.s32 $0xFFFFE000  }
0x4f: {  	[spmem:s1] =	stream.indirect.scatter.add.f32 [tilespmem:s14], [sflag:$0x5], $0x80, s5, s13, $0xb8;
	[tilespmem:$0x1E800] =	vst v63  }
0x50: {  	_ =	swait.ge [sflag:s11], $0x2000  }
0x51: {  	[sflag:s11] =	ssyncset.done $0x0  }
0x52: {  	s5 =	sadd.s32 $0x200, s3;
	[sflag:s11] =	ssyncadd.s32 $0xFFFFE000  }
0x53: {  	[tilespmem:s14], [sflag:$0x1] =	stream.indirect.gather [hbm4b:s4+s13], $0x80, s5, s13, $0xb8;
	[tilespmem:$0x1E800] =	vst v63  }
0x54: {  	_ =	swait.ge [sflag:s22], $0x2000  }
0x55: {  	[sflag:s22] =	ssyncset.done $0x0  }
0x56: {  	s5 =	sadd.s32 $0x1480, s3;
	[sflag:s22] =	ssyncadd.s32 $0xFFFFE000  }
0x57: {  	[spmem:s1] =	stream.indirect.scatter.add.f32 [tilespmem:s16], [sflag:$0x5], $0x80, s5, s13, $0xb8;
	[tilespmem:$0x1E800] =	vst v63  }
0x58: {  	_ =	swait.ge [sflag:s11], $0x2000  }
0x59: {  	[sflag:s11] =	ssyncset.done $0x0  }
0x5a: {  	s5 =	sadd.s32 $0x280, s3;
	[sflag:s11] =	ssyncadd.s32 $0xFFFFE000  }
0x5b: {  	[tilespmem:s16], [sflag:$0x2] =	stream.indirect.gather [hbm4b:s4+s13], $0x80, s5, s13, $0xb8;
	[tilespmem:$0x1E800] =	vst v63  }
0x5c: {  	_ =	swait.ge [sflag:s23], $0x2000  }
0x5d: {  	[sflag:s23] =	ssyncset.done $0x0  }
0x5e: {  	s5 =	sadd.s32 $0x1500, s3;
	[sflag:s23] =	ssyncadd.s32 $0xFFFFE000  }
0x5f: {  	[spmem:s1] =	stream.indirect.scatter.add.f32 [tilespmem:s18], [sflag:$0x5], $0x80, s5, s13, $0xb8;
	[tilespmem:$0x1E800] =	vst v63  }
0x60: {  	_ =	swait.ge [sflag:s11], $0x2000  }
0x61: {  	[sflag:s11] =	ssyncset.done $0x0  }
0x62: {  	s5 =	sadd.s32 $0x300, s3;
	[sflag:s11] =	ssyncadd.s32 $0xFFFFE000  }
0x63: {  	[tilespmem:s18], [sflag:$0x3] =	stream.indirect.gather [hbm4b:s4+s13], $0x80, s5, s13, $0xb8;
	[tilespmem:$0x1E800] =	vst v63  }
0x64: {  	_ =	swait.ge [sflag:s25], $0x2000  }
0x65: {  	[sflag:s25] =	ssyncset.done $0x0  }
.Ltmp0:
0x66: {  	s5 =	sadd.s32 $0x1580, s3;
	[sflag:s25] =	ssyncadd.s32 $0xFFFFE000;
	(pc) =	sbr.rel @p0 .LBB2_3-.Ltmp0, $4  }
0x67: {  	[spmem:s1] =	stream.indirect.scatter.add.f32 [tilespmem:s20], [sflag:$0x5], $0x80, s5, s13, $0xb8;
	[tilespmem:$0x1E800] =	vst v63  }
0x68: {  	_ =	swait.ge [sflag:s11], $0x2000  }
0x69: {  	[sflag:s11] =	ssyncset.done $0x0  }
0x6a: {  	s3 =	sadd.s32 $0x380, s3;
	[sflag:s11] =	ssyncadd.s32 $0xFFFFE000  }
0x6b: {  	[tilespmem:s20], [sflag:$0x4] =	stream.indirect.gather [hbm4b:s4+s13], $0x80, s3, s13, $0xb8;
	[tilespmem:$0x1E800] =	vst v63  }
0x6c: {  	_ =	swait.ge [sflag:s21], $0x2000  }
0x6d: {  	[sflag:s21] =	ssyncset.done $0x0  }
0x6e: {  	[sflag:s21] =	ssyncadd.s32 $0xFFFFE000  }
0x6f: {  	[spmem:s1] =	stream.indirect.scatter.add.f32 [tilespmem:s14], [sflag:$0x5], $0x80, s26, s13, $0xb8;
	[tilespmem:$0x1E800] =	vst v63  }
0x70: {  	_ =	swait.ge [sflag:s11], $0x2000  }
0x71: {  	[sflag:s11] =	ssyncset.done $0x0  }
0x72: {  	[sflag:s11] =	ssyncadd.s32 $0xFFFFE000  }
0x73: {  	_ =	swait.ge [sflag:s22], $0x2000  }
0x74: {  	[sflag:s22] =	ssyncset.done $0x0  }
0x75: {  	[sflag:s22] =	ssyncadd.s32 $0xFFFFE000  }
0x76: {  	[spmem:s1] =	stream.indirect.scatter.add.f32 [tilespmem:s16], [sflag:$0x5], $0x80, s28, s13, $0xb8;
	[tilespmem:$0x1E800] =	vst v63  }
0x77: {  	_ =	swait.ge [sflag:s11], $0x2000  }
0x78: {  	[sflag:s11] =	ssyncset.done $0x0  }
0x79: {  	[sflag:s11] =	ssyncadd.s32 $0xFFFFE000  }
0x7a: {  	_ =	swait.ge [sflag:s23], $0x2000  }
0x7b: {  	[sflag:s23] =	ssyncset.done $0x0  }
0x7c: {  	[sflag:s23] =	ssyncadd.s32 $0xFFFFE000  }
0x7d: {  	[spmem:s1] =	stream.indirect.scatter.add.f32 [tilespmem:s18], [sflag:$0x5], $0x80, s29, s13, $0xb8;
	[tilespmem:$0x1E800] =	vst v63  }
0x7e: {  	_ =	swait.ge [sflag:s11], $0x2000  }
0x7f: {  	[sflag:s11] =	ssyncset.done $0x0  }
0x80: {  	[sflag:s11] =	ssyncadd.s32 $0xFFFFE000  }
0x81: {  	s31 =	sadd.s32 $0x1, s31;
	_ =	swait.ge [sflag:s25], $0x2000  }
0x82: {  	p0 =	sne.s32 s31, $0x4;
	[sflag:s25] =	ssyncset.done $0x0  }
.Ltmp1:
0x83: {  	[sflag:s25] =	ssyncadd.s32 $0xFFFFE000;
	(pc) =	sbr.rel @p0 .LBB2_2-.Ltmp1, $4  }
0x84: {  	[spmem:s1] =	stream.indirect.scatter.add.f32 [tilespmem:s20], [sflag:$0x5], $0x80, s30, s13, $0xb8;
	[tilespmem:$0x1E800] =	vst v63  }
0x85: {  	_ =	swait.ge [sflag:s11], $0x2000  }
0x86: {  	[sflag:s11] =	ssyncset.done $0x0  }
0x87: {  	[sflag:s11] =	ssyncadd.s32 $0xFFFFE000  }
0x88: {  	s2 =	sadd.s32 $0x1, s2  }
0x89: {  	p0 =	sne.s32 s2, s9  }
.Ltmp2:
0x8a: {  	[bflag:$0x0] =	sbarrier.arrive $0xFFFF;
	(pc) =	sbr.rel @p0 .LBB2_1-.Ltmp2, $4  }
0x8b: {  	[hbm:s24], [sflag:s6] =	dma.local [spmem:s10], $0x2800  }
0x8c: {  	_ =	swait.ge [sflag:s11], $0x2800  }
0x8d: {  	[sflag:s11] =	ssyncset.done $0x0  }
0x8e: {  	[sflag:s11] =	ssyncadd.s32 $0xFFFFD800  }
0x8f: {  	_ =	sfence.sel $0x180000  }
0x90: {  	[bflag:$0x0] =	sbarrier.arrive $0xFFFF  }
0x91: {  	_ =	strace $0x9000004D  }
0x92: {  	s0 =	stileid.u32;
	[bflag:$0x2] =	sbarrier.arrive $0xFFFF  }
0x93: {  	p0 =	sne.s32 s0, $0x0;
	s0 =	rddreg [dreg:$0x4]  }
0x94: {  	s0 =	sadd.s32 @!p0 $0x100000, s0  }
0x95: {  	[sflag:s0] =	ssyncadd.tile.s32 @!p0 $0x1;
	_ =	shalt  }
.Lfunc_end2:
_tile_overlayer_lowered:
.L_overlay_start_2:
0x96: {  	(tag) =	ssettag $0x2  }
0x97: {  	s0 =	rddreg [dreg:$0x0];
	s2 =	stileid.u32  }
0x98: {  	s1 =	rddreg [dreg:$0x1];
	p0 =	sne.s32 s2, $0x0  }
0x99: {  	s3 =	rddreg [dreg:$0x2];
	[bflag:$0x3] =	sbarrier.arrive $0xFFFF;
	s2 =	simm.s32 @!p0 $0x1C05  }
0x9a: {  	[timem:s3], [sflag:s2] =	dma.local @!p0 [hbm:s0], s1  }
0x9b: {  	s0 =	simm.s32 @!p0 $0x5  }
0x9c: {  	_ =	swait.ge @!p0 [sflag:s0], s1  }
0x9d: {  	s1 =	ssub.s32 @!p0 $0x0, s1;
	[sflag:s0] =	ssyncset.done @!p0 $0x0  }
0x9e: {  	[sflag:s0] =	ssyncadd.s32 @!p0 s1  }
0x9f: {  	[bflag:$0x3] =	sbarrier.arrive $0xFFFF  }
0xa0: {  	_ =	shalt  }

// kernel: kernel.8.cloned.1.call-start
scs
__scs_entry_jumppad:
0x0: {  	(pc) =	sbr.rel $0x88, $3  }
0x1: {  	(tag) =	ssettag $0x0;
	lr =	simm.s32 $0x1  }
0x2: {  	[smem:$0x3F99] =	sst lr;
	_ =	strace $0xD0000000  }
0x3: {  	_ = 	snop  }
0x4: {  	_ = 	snop  }
0x5: {  	_ = 	snop  }
0x6: {  	_ = 	snop  }
0x7: {  	_ = 	snop  }
__scs_overlays_trampoline_lowered:
0x8: {  	[smem:$0x3FA8] =	sst s0  }
0x9: {  	[smem:$0x3FA9] =	sst s1  }
0xa: {  	[smem:$0x3FAA] =	sst s2  }
0xb: {  	[smem:$0x3FAB] =	sst s3  }
0xc: {  	[smem:$0x3FAC] =	sst s4  }
0xd: {  	[smem:$0x3FAD] =	sst s5  }
0xe: {  	[smem:$0x3FAE] =	sst s6  }
0xf: {  	[smem:$0x3FAF] =	sst s7  }
0x10: {  	[smem:$0x3FB0] =	sst s8  }
0x11: {  	[smem:$0x3FB1] =	sst s9;
	s0 =	simm.s32 @!p0 $0x0  }
0x12: {  	s1 =	sld [smem:$0x3F97];
	s0 =	simm.s32 @p0 $0x1  }
0x13: {  	[smem:$0x3FB2] =	sst s0;
	s0 =	simm.s32 @!p1 $0x0  }
0x14: {  	s2 =	sld [smem:$0x3F96];
	s0 =	simm.s32 @p1 $0x1  }
0x15: {  	[smem:$0x3FB3] =	sst s0;
	s0 =	simm.s32 @!p2 $0x0  }
0x16: {  	s3 =	sld [smem:$0x3FDB];
	s0 =	simm.s32 @p2 $0x1  }
0x17: {  	s4 =	simm.s32 $0x1BF5;
	[smem:$0x3FB5] =	sst s0  }
0x18: {  	s0 =	sld [smem:$0x3F98];
	_ =	swait.ge [sflag:s4], $0x0  }
0x19: {  	s7 =	sld [smem:$0x3F99]  }
0x1a: {  	s8 =	sadd.s32 $0xFFFFE003, lr  }
0x1b: {  	s9 =	sadd.s32 $0xFFFFFEF7, lr;
	s5 =	simm.s32 $0xFFFFFFFF;
	p2 =	slt.u32 s8, $0xFFFFF086  }
0x1c: {  	p1 =	slt.u32 s9, $0xF7A;
	s5 =	simm.s32 @!p2 $0x0  }
0x1d: {  	s5 =	simm.s32 @p1 $0x1;
	p0 =	seq.s32 s7, s2  }
0x1e: {  	s7 =	smul.u32 @!p0 $0xF7A, s2;
	p2 =	seq.s32 @!p0 s5, $0x0  }
0x1f: {  	s9 =	smul.u32 $0xF7A, s1;
	s8 =	simm.s32 @!p0 $0x1BF5;
	p2 =	por !p2, p0  }
0x20: {  	[sflag:s8] =	ssyncset.s32 @!p0 $0xFFFFF086;
	s6 =	sadd.s32 @!p0 s3, s7;
	s7 =	simm.s32 @!p0 $0x108  }
0x21: {  	s3 =	sadd.s32 s3, s9;
	s6 =	sadd.s32 @!p0 $0x88, s6;
	s7 =	simm.s32 @p2 $0x1082  }
0x22: {  	[simem:s7], [sflag:s8] =	dma.local @!p0 [hbm:s6], $0xF7A  }
0x23: {  	s9 =	sor.u32 $0xD0000000, s2;
	s6 =	simm.s32 $0x108;
	_ =	swait.ge @!p0 [sflag:s8], $0x0  }
0x24: {  	s3 =	sadd.s32 $0x88, s3;
	s6 =	simm.s32 @!p1 $0x1082;
	[sflag:s4] =	ssyncset.s32 $0xFFFFF086  }
0x25: {  	[simem:s6], [sflag:s4] =	dma.local [hbm:s3], $0xF7A  }
0x26: {  	[smem:$0x3F99] =	sst s1;
	(tag) =	ssettag s2;
	_ =	strace s9  }
0x27: {  	s1 =	sld [smem:$0x3FA9]  }
0x28: {  	s2 =	sld [smem:$0x3FAA]  }
0x29: {  	s4 =	sld [smem:$0x3FAC]  }
0x2a: {  	p0 =	seq.s32 s5, $0x0;
	s5 =	sld [smem:$0x3FAD]  }
0x2b: {  	s6 =	sld [smem:$0x3FAE]  }
0x2c: {  	s7 =	sld [smem:$0x3FAF]  }
0x2d: {  	s3 =	simm.s32 $0x108;
	s8 =	sld [smem:$0x3FB0]  }
0x2e: {  	s3 =	simm.s32 @!p0 $0x1082;
	s9 =	sld [smem:$0x3FB1]  }
0x2f: {  	lr =	sadd.s32 s0, s3;
	s0 =	sld [smem:$0x3FA8]  }
0x30: {  	s3 =	sld [smem:$0x3FAB]  }
0x31: {  	[smem:$0x3FB4] =	sst s10  }
0x32: {  	s10 =	sld [smem:$0x3FB2];
	_ =	sdelay $0x3  }
0x33: {  	p0 =	seq.s32 s10, $0x1;
	s10 =	sld [smem:$0x3FB4];
	_ =	sdelay $0x3  }
0x34: {  	[smem:$0x3FB4] =	sst s10  }
0x35: {  	s10 =	sld [smem:$0x3FB3];
	_ =	sdelay $0x3  }
0x36: {  	p1 =	seq.s32 s10, $0x1;
	s10 =	sld [smem:$0x3FB4];
	_ =	sdelay $0x3  }
0x37: {  	[smem:$0x3FB4] =	sst s10  }
0x38: {  	s10 =	sld [smem:$0x3FB5]  }
0x39: {  	_ = 	snop;
	(pc) =	sbr.ind lr, $3  }
0x3a: {  	_ = 	snop  }
0x3b: {  	_ = 	snop  }
0x3c: {  	p2 =	seq.s32 s10, $0x1;
	s10 =	sld [smem:$0x3FB4]  }
0x3d: {  	_ =	shalt  }
0x3e: {  	_ =	shalt  }
0x3f: {  	_ =	shalt  }
0x40: {  	_ =	shalt  }
0x41: {  	_ =	shalt  }
0x42: {  	_ =	shalt  }
0x43: {  	_ =	shalt  }
0x44: {  	_ =	shalt  }
0x45: {  	_ =	shalt  }
0x46: {  	_ =	shalt  }
0x47: {  	_ =	shalt  }
0x48: {  	_ =	shalt  }
0x49: {  	_ =	shalt  }
0x4a: {  	_ =	shalt  }
0x4b: {  	_ =	shalt  }
0x4c: {  	_ =	shalt  }
0x4d: {  	_ =	shalt  }
0x4e: {  	_ =	shalt  }
0x4f: {  	_ =	shalt  }
0x50: {  	_ =	shalt  }
0x51: {  	_ =	shalt  }
0x52: {  	_ =	shalt  }
0x53: {  	_ =	shalt  }
0x54: {  	_ =	shalt  }
0x55: {  	_ =	shalt  }
0x56: {  	_ =	shalt  }
0x57: {  	_ =	shalt  }
0x58: {  	_ =	shalt  }
0x59: {  	_ =	shalt  }
0x5a: {  	_ =	shalt  }
0x5b: {  	_ =	shalt  }
0x5c: {  	_ =	shalt  }
0x5d: {  	_ =	shalt  }
0x5e: {  	_ =	shalt  }
0x5f: {  	_ =	shalt  }
0x60: {  	_ =	shalt  }
0x61: {  	_ =	shalt  }
0x62: {  	_ =	shalt  }
0x63: {  	_ =	shalt  }
0x64: {  	_ =	shalt  }
0x65: {  	_ =	shalt  }
0x66: {  	_ =	shalt  }
0x67: {  	_ =	shalt  }
0x68: {  	_ =	shalt  }
0x69: {  	_ =	shalt  }
0x6a: {  	_ =	shalt  }
0x6b: {  	_ =	shalt  }
0x6c: {  	_ =	shalt  }
0x6d: {  	_ =	shalt  }
0x6e: {  	_ =	shalt  }
0x6f: {  	_ =	shalt  }
0x70: {  	_ =	shalt  }
0x71: {  	_ =	shalt  }
0x72: {  	_ =	shalt  }
0x73: {  	_ =	shalt  }
0x74: {  	_ =	shalt  }
0x75: {  	_ =	shalt  }
0x76: {  	_ =	shalt  }
0x77: {  	_ =	shalt  }
0x78: {  	_ =	shalt  }
0x79: {  	_ =	shalt  }
0x7a: {  	_ =	shalt  }
0x7b: {  	_ =	shalt  }
0x7c: {  	_ =	shalt  }
0x7d: {  	_ =	shalt  }
0x7e: {  	_ =	shalt  }
0x7f: {  	_ =	shalt  }
0x80: {  	_ =	shalt  }
0x81: {  	_ =	shalt  }
0x82: {  	_ =	shalt  }
0x83: {  	_ =	shalt  }
0x84: {  	_ =	shalt  }
0x85: {  	_ =	shalt  }
0x86: {  	_ =	shalt  }
0x87: {  	_ =	shalt  }
.Lfunc_end0:
.L_simem_size_0:
called_computation_lowered:
.L_overlay_start_0:
0x88: {  	s2 =	sld [smem:$0x3FD9]  }
0x89: {  	s3 =	sld [smem:$0x3FFE];
	_ =	sdelay $0x1  }
0x8a: {  	s1 =	srdreg.scid  }
0x8b: {  	s0 =	sand.u32 $0x1, s1  }
0x8c: {  	s14 =	sshll.u32 s0, $0xA;
	s2 =	sadd.s32 s3, s2  }
0x8d: {  	s2 =	sadd.s32 s2, s14  }
0x8e: {  	[smem:$0x3FC0] =	sst s2  }
0x8f: {  	_ = 	snop  }
0x90: {  	s2 =	sld [smem:$0x3FD0];
	_ =	sdelay $0x2  }
0x91: {  	s15 =	simm.s32 $0xA;
	s4 =	simm.s32 $0x10  }
0x92: {  	[smem:s4], [sflag:s15] =	dma.local [hbm:s2], $0x1  }
0x93: {  	_ =	swait.eq [sflag:s15], $0x1  }
0x94: {  	[sflag:s15] =	ssyncset.done $0x0  }
0x95: {  	[sflag:s15] =	ssyncadd.s32 $0xFFFFFFFF  }
0x96: {  	s16 =	sld [smem:$0x11];
	(tm) =	ssettm $0x1  }
0x97: {  	s17 =	sld [smem:$0x3FFB];
	_ =	sdelay $0x3  }
0x98: {  	_ =	strace s17  }
0x99: {  	s3 =	sld [smem:$0x3FFC];
	_ =	sdelay $0x3  }
0x9a: {  	_ =	strace s3  }
0x9b: {  	s3 =	sld [smem:$0x3FFD];
	_ =	sdelay $0x3  }
0x9c: {  	_ =	strace s3  }
0x9d: {  	_ =	strace $0x8FFFFFFF  }
0x9e: {  	s18 =	sld [smem:$0x3FDB];
	_ =	sdelay $0x1  }
0x9f: {  	s19 =	simm.s32 $_scs_section_size  }
0xa0: {  	s5 =	simm.s32 $_size__tile_overlayer_lowered;
	s6 =	simm.s32 $_tile_overlayer_lowered  }
0xa1: {  	s22 =	simm.s32 $0x1BFF;
	s21 =	sshll.u32 s6, $0x1;
	s3 =	sadd.s32 s19, s18  }
0xa2: {  	s7 =	simm.s32 $0x0;
	s20 =	sshll.u32 s5, $0x1;
	s5 =	sadd.s32 s21, s3  }
0xa3: {  	[timem:s7], [sflag:s22] =	dma.local [hbm:s5], s20  }
0xa4: {  	_ =	swait.ge [sflag:s22], s20  }
0xa5: {  	s4 =	ssub.s32 $0x0, s20;
	[sflag:s22] =	ssyncset.done $0x0  }
0xa6: {  	[sflag:s22] =	ssyncadd.s32 s4;
	_ =	sdelay $0x1  }
0xa7: {  	s23 =	simm.s32 $0x1B8B  }
0xa8: {  	_ =	swait.ge [sflag:s23], $0x1  }
0xa9: {  	[sflag:s23] =	ssyncset.done $0x0  }
0xaa: {  	s25 =	simm.s32 $0x1B8E;
	s24 =	sld [smem:$0x3FFE];
	[sflag:s23] =	ssyncadd.s32 $0xFFFFFFFF  }
0xab: {  	s26 =	simm.s32 $execute0_lowered;
	[smem:$0x3FD2] =	sst s25  }
0xac: {  	s5 =	sshll.u32 s26, $0x1;
	_ =	strace $0x80000046;
	[dreg:$0x1] =	wrdreg $0xFFFFFFFF  }
0xad: {  	s28 =	simm.s32 $_size_execute0_lowered;
	s3 =	sadd.s32 s3, s5;
	[dreg:$0x0] =	wrdreg $0x0  }
0xae: {  	s5 =	sshll.u32 s28, $0x1;
	[dreg:$0x2] =	wrdreg s3  }
0xaf: {  	[dreg:$0x3] =	wrdreg s5  }
0xb0: {  	[dreg:$0x4] =	wrdreg $0xC0  }
0xb1: {  	_ =	task [dreg:s7], $0x5FFFF  }
0xb2: {  	[dreg:$0x1] =	wrdreg $0xFFFFFFFF  }
0xb3: {  	[dreg:$0x0] =	wrdreg $0x60  }
0xb4: {  	[dreg:$0x2] =	wrdreg s16  }
0xb5: {  	[dreg:$0x3] =	wrdreg s24  }
0xb6: {  	[dreg:$0x4] =	wrdreg $0x34000  }
0xb7: {  	[dreg:$0x5] =	wrdreg $0x9  }
0xb8: {  	_ =	task.clear_ibuf [dreg:s7], $0x6FFFF;
	_ =	strace $0x90000046  }
0xb9: {  	s29 =	simm.s32 $0x9;
	_ =	strace $0x80000048  }
0xba: {  	_ =	swait.ge [sflag:s29], $0x1  }
0xbb: {  	[sflag:s29] =	ssyncadd.s32 $0xFFFFFFFF  }
0xbc: {  	_ =	strace $0x90000048  }
0xbd: {  	_ =	sfence  }
0xbe: {  	s30 =	sld [smem:$0x0];
	_ =	sdelay $0x2  }
0xbf: {  	s31 =	sshll.u32 s1, $0xD;
	s1 =	sshrl.u32 s1, $0x2  }
0xc0: {  	s3 =	sand.u32 $0x4000, s31;
	s1 =	sadd.s32 s1, s30  }
0xc1: {  	s0 =	sor.u32 s3, s0;
	s1 =	sshll.u32 s1, $0x11  }
0xc2: {  	s0 =	sor.u32 s1, s0  }
0xc3: {  	s0 =	sadd.s32 $0x8F2B, s0  }
0xc4: {  	[sflag:s0] =	ssyncadd.remote.s32 $0x1  }
0xc5: {  	_ =	sfence.sel $0xFFFF  }
0xc6: {  	[dreg:$0x0] =	wrdreg $0xFFFFFFFF;
	(pc) =	sbr.abs _section_cstart, $3  }
0xc7: {  	[dreg:$0x1] =	wrdreg $0xFFFFFFFF  }
0xc8: {  	_ =	task.clear_ibuf [dreg:s7], $0x2FFFF;
	_ =	strace $0x9FFFFFFF  }
0xc9: {  	(tm) =	ssettm $0x7FFFFFFF  }
tec
execute0_lowered:
.L_overlay_start_1:
0x0: {  	(tag) =	ssettag $0x1  }
0x1: {  	s6 =	rddreg [dreg:$0x0]  }
0x2: {  	s7 =	rddreg [dreg:$0x1]  }
0x3: {  	s1 =	rddreg [dreg:$0x2]  }
0x4: {  	s0 =	rddreg [dreg:$0x3];
	s2 =	simm.s32 $0x0;
	s8 =	srdreg.scid  }
0x5: {  	s3 =	stileid.u32;
	[smem:$0x7FF] =	sst s2  }
0x6: {  	s4 =	sadd.s32 $0x3200, s7;
	s5 =	sadd.s32 $0x3600, s7;
	s10 =	smul.u32 $0x50000, s3  }
0x7: {  	s8 =	sand.u32 $0x1, s8;
	s9 =	sshll.u32 s3, $0x1;
	s17 =	smul.u32 $0x2800, s3  }
0x8: {  	s31 =	sshll.u32 s3, $0x6;
	s11 =	smul.u32 $0x28000, s8;
	s12 =	ssub.s32 $0x2, s8  }
0x9: {  	_ =	strace $0x80000047;
	s8 =	sor.u32 s8, s9;
	s29 =	sshrl.u32 s12, $0x1  }
0xa: {  	s10 =	sshrl.u32 s10, $0x2;
	s8 =	smul.u32 $0xA00, s8;
	s7 =	sadd.s32 s11, s7  }
0xb: {  	s9 =	ssub.s32 s12, s29;
	s30 =	sadd.s32 s10, s1;
	s10 =	sor.u32 $0x1C01, s31  }
0xc: {  	s12 =	simm.s32 $0x40;
	s6 =	sadd.s32 s6, s8;
	s16 =	sadd.s32 $0x5E00, s7  }
0xd: {  	s7 =	smax.u32 s9, $0x1;
	s8 =	simm.s32 $0x1400;
	s9 =	simm.s32 $0x1  }
0xe: {  	s11 =	sshrl.u32 s30, $0x3;
	s13 =	sadd.s32 $0x280, s6;
	s14 =	sadd.s32 $0x500, s6  }
0xf: {  	s15 =	sadd.s32 $0x780, s6;
	s16 =	sadd.s32 s17, s16;
	s17 =	simm.s32 $0x0  }
.LBB2_1:
0x10: {  	[tilespmem:s8], [sflag:$0x1] =	stream.linear.gather [hbm4b:s4+s2], $0x2000, $0x38;
	[tilespmem:$0x17400] =	vst v63  }
0x11: {  	_ =	swait.ge [sflag:s9], $0x2000  }
0x12: {  	[sflag:s9] =	ssyncset.done $0x0  }
0x13: {  	[sflag:s9] =	ssyncadd.s32 $0xFFFFE000  }
0x14: {  	[spmem:s11], [sflag:s10] =	dma.local [hbm:s5], $0x2800  }
0x15: {  	_ =	swait.ge [sflag:s9], $0x2800  }
0x16: {  	[sflag:s9] =	ssyncset.done $0x0  }
0x17: {  	[sflag:s9] =	ssyncadd.s32 $0xFFFFD800  }
0x18: {  	[bflag:$0x0] =	sbarrier.arrive $0xFFFF  }
0x19: {  	[tilespmem:s2], [sflag:$0x1] =	stream.linear.gather [hbm4b:s6+s2], $0x1400, $0x38;
	[tilespmem:$0x17400] =	vst v63  }
0x1a: {  	_ =	swait.ge [sflag:s9], $0x1400  }
0x1b: {  	[sflag:s9] =	ssyncset.done $0x0  }
0x1c: {  	s18 =	simm.s32 $0x0;
	[sflag:s9] =	ssyncadd.s32 $0xFFFFEC00  }
0x1d: {  	[spmem:s1] =	stream.indirect.scatter.add.f32 [tilespmem:s8], [sflag:$0x1], $0x80, s18, s12, $0xb8;
	[tilespmem:$0x17400] =	vst v63  }
0x1e: {  	_ =	swait.ge [sflag:s9], $0x2000  }
0x1f: {  	s18 =	simm.s32 $0x200;
	[sflag:s9] =	ssyncset.done $0x0  }
.LBB2_2:
0x20: {  	s19 =	sshra.s32 s18, $0x2;
	[sflag:s9] =	ssyncadd.s32 $0xFFFFE000;
	p0 =	sne.s32 s18, $0x4E00  }
0x21: {  	[spmem:s1] =	stream.indirect.scatter.add.f32 [tilespmem:s8], [sflag:$0x1], $0x80, s19, s12, $0xb8;
	[tilespmem:$0x17400] =	vst v63  }
.Ltmp0:
0x22: {  	_ = 	snop;
	(pc) =	sbr.rel @p0 .LBB2_2-.Ltmp0, $4  }
0x23: {  	_ = 	snop  }
0x24: {  	s18 =	sadd.s32 $0x200, s18  }
0x25: {  	_ =	swait.ge [sflag:s9], $0x2000  }
0x26: {  	[sflag:s9] =	ssyncset.done $0x0  }
0x27: {  	[sflag:s9] =	ssyncadd.s32 $0xFFFFE000;
	s18 =	simm.s32 $0x0  }
0x28: {  	[tilespmem:s18], [sflag:$0x1] =	stream.linear.gather [hbm4b:s13+s18], $0x1400, $0x38;
	[tilespmem:$0x17400] =	vst v63  }
0x29: {  	_ =	swait.ge [sflag:s9], $0x1400  }
0x2a: {  	[sflag:s9] =	ssyncset.done $0x0  }
0x2b: {  	s31 =	simm.s32 $0x0;
	[sflag:s9] =	ssyncadd.s32 $0xFFFFEC00  }
0x2c: {  	[spmem:s1] =	stream.indirect.scatter.add.f32 [tilespmem:s8], [sflag:$0x1], $0x80, s31, s12, $0xb8;
	[tilespmem:$0x17400] =	vst v63  }
0x2d: {  	_ =	swait.ge [sflag:s9], $0x2000  }
0x2e: {  	s18 =	simm.s32 $0x200;
	[sflag:s9] =	ssyncset.done $0x0  }
.LBB2_4:
0x2f: {  	s19 =	sshra.s32 s18, $0x2;
	[sflag:s9] =	ssyncadd.s32 $0xFFFFE000;
	p0 =	sne.s32 s18, $0x4E00  }
0x30: {  	[spmem:s1] =	stream.indirect.scatter.add.f32 [tilespmem:s8], [sflag:$0x1], $0x80, s19, s12, $0xb8;
	[tilespmem:$0x17400] =	vst v63  }
.Ltmp1:
0x31: {  	_ = 	snop;
	(pc) =	sbr.rel @p0 .LBB2_4-.Ltmp1, $4  }
0x32: {  	_ = 	snop  }
0x33: {  	s18 =	sadd.s32 $0x200, s18  }
0x34: {  	_ =	swait.ge [sflag:s9], $0x2000  }
0x35: {  	[sflag:s9] =	ssyncset.done $0x0  }
0x36: {  	[sflag:s9] =	ssyncadd.s32 $0xFFFFE000;
	s18 =	simm.s32 $0x0  }
0x37: {  	[tilespmem:s18], [sflag:$0x1] =	stream.linear.gather [hbm4b:s14+s18], $0x1400, $0x38;
	[tilespmem:$0x17400] =	vst v63  }
0x38: {  	_ =	swait.ge [sflag:s9], $0x1400  }
0x39: {  	[sflag:s9] =	ssyncset.done $0x0  }
0x3a: {  	s31 =	simm.s32 $0x0;
	[sflag:s9] =	ssyncadd.s32 $0xFFFFEC00  }
0x3b: {  	[spmem:s1] =	stream.indirect.scatter.add.f32 [tilespmem:s8], [sflag:$0x1], $0x80, s31, s12, $0xb8;
	[tilespmem:$0x17400] =	vst v63  }
0x3c: {  	_ =	swait.ge [sflag:s9], $0x2000  }
0x3d: {  	s18 =	simm.s32 $0x200;
	[sflag:s9] =	ssyncset.done $0x0  }
.LBB2_6:
0x3e: {  	s19 =	sshra.s32 s18, $0x2;
	[sflag:s9] =	ssyncadd.s32 $0xFFFFE000;
	p0 =	sne.s32 s18, $0x4E00  }
0x3f: {  	[spmem:s1] =	stream.indirect.scatter.add.f32 [tilespmem:s8], [sflag:$0x1], $0x80, s19, s12, $0xb8;
	[tilespmem:$0x17400] =	vst v63  }
.Ltmp2:
0x40: {  	_ = 	snop;
	(pc) =	sbr.rel @p0 .LBB2_6-.Ltmp2, $4  }
0x41: {  	_ = 	snop  }
0x42: {  	s18 =	sadd.s32 $0x200, s18  }
0x43: {  	_ =	swait.ge [sflag:s9], $0x2000  }
0x44: {  	[sflag:s9] =	ssyncset.done $0x0  }
0x45: {  	[sflag:s9] =	ssyncadd.s32 $0xFFFFE000;
	s18 =	simm.s32 $0x0  }
0x46: {  	[tilespmem:s18], [sflag:$0x1] =	stream.linear.gather [hbm4b:s15+s18], $0x1400, $0x38;
	[tilespmem:$0x17400] =	vst v63  }
0x47: {  	_ =	swait.ge [sflag:s9], $0x1400  }
0x48: {  	[sflag:s9] =	ssyncset.done $0x0  }
0x49: {  	s31 =	simm.s32 $0x0;
	[sflag:s9] =	ssyncadd.s32 $0xFFFFEC00  }
0x4a: {  	[spmem:s1] =	stream.indirect.scatter.add.f32 [tilespmem:s8], [sflag:$0x1], $0x80, s31, s12, $0xb8;
	[tilespmem:$0x17400] =	vst v63  }
0x4b: {  	_ =	swait.ge [sflag:s9], $0x2000  }
0x4c: {  	s18 =	simm.s32 $0x200;
	[sflag:s9] =	ssyncset.done $0x0  }
.LBB2_8:
0x4d: {  	s19 =	sshra.s32 s18, $0x2;
	[sflag:s9] =	ssyncadd.s32 $0xFFFFE000;
	p0 =	sne.s32 s18, $0x4E00  }
0x4e: {  	[spmem:s1] =	stream.indirect.scatter.add.f32 [tilespmem:s8], [sflag:$0x1], $0x80, s19, s12, $0xb8;
	[tilespmem:$0x17400] =	vst v63  }
.Ltmp3:
0x4f: {  	_ = 	snop;
	(pc) =	sbr.rel @p0 .LBB2_8-.Ltmp3, $4  }
0x50: {  	_ = 	snop  }
0x51: {  	s18 =	sadd.s32 $0x200, s18  }
0x52: {  	_ =	swait.ge [sflag:s9], $0x2000  }
0x53: {  	[sflag:s9] =	ssyncset.done $0x0  }
0x54: {  	s17 =	sadd.s32 $0x1, s17  }
0x55: {  	[sflag:s9] =	ssyncadd.s32 $0xFFFFE000;
	p0 =	sne.s32 s17, s7  }
.Ltmp4:
0x56: {  	[bflag:$0x0] =	sbarrier.arrive $0xFFFF;
	(pc) =	sbr.rel @p0 .LBB2_1-.Ltmp4, $4  }
0x57: {  	[hbm:s16], [sflag:s10] =	dma.local [spmem:s11], $0x2800  }
0x58: {  	_ =	swait.ge [sflag:s9], $0x2800  }
0x59: {  	[sflag:s9] =	ssyncset.done $0x0  }
0x5a: {  	[sflag:s9] =	ssyncadd.s32 $0xFFFFD800  }
0x5b: {  	_ =	sfence.sel $0x180000  }
0x5c: {  	[bflag:$0x0] =	sbarrier.arrive $0xFFFF  }
0x5d: {  	p0 =	sne.s32 s3, $0x0;
	_ =	strace $0x90000047  }
0x5e: {  	s0 =	sadd.s32 @!p0 $0x100000, s0;
	[bflag:$0x2] =	sbarrier.arrive $0xFFFF  }
0x5f: {  	[sflag:s0] =	ssyncadd.tile.s32 @!p0 $0x1;
	_ =	shalt  }
.Lfunc_end2:
_tile_overlayer_lowered:
.L_overlay_start_2:
0x60: {  	(tag) =	ssettag $0x2  }
0x61: {  	s0 =	rddreg [dreg:$0x0];
	s2 =	stileid.u32  }
0x62: {  	s1 =	rddreg [dreg:$0x1];
	p0 =	sne.s32 s2, $0x0  }
0x63: {  	s3 =	rddreg [dreg:$0x2];
	[bflag:$0x3] =	sbarrier.arrive $0xFFFF;
	s2 =	simm.s32 @!p0 $0x1C01  }
0x64: {  	[timem:s3], [sflag:s2] =	dma.local @!p0 [hbm:s0], s1  }
0x65: {  	s0 =	simm.s32 @!p0 $0x1  }
0x66: {  	_ =	swait.ge @!p0 [sflag:s0], s1  }
0x67: {  	s1 =	ssub.s32 @!p0 $0x0, s1;
	[sflag:s0] =	ssyncset.done @!p0 $0x0  }
0x68: {  	[sflag:s0] =	ssyncadd.s32 @!p0 s1  }
0x69: {  	[bflag:$0x3] =	sbarrier.arrive $0xFFFF  }
0x6a: {  	_ =	shalt  }

</sc_bundles>
